<compile_context>
chip_gen: v7x
topology: tpu7x:2x2x1
jax: 0.10.2.dev20260603
libtpu: 0.0.44.dev20260713+nightly
codegen_flags: <defaults>
</compile_context>

<pallas_src>
import functools

import jax
import jax.numpy as jnp
from jax import lax
from jax.experimental import pallas as pl
from jax.experimental.pallas import tpu as pltpu
from jax.experimental.pallas import tpu_sc as plsc

D_MODEL = 768
VOCAB = 4
MAX_LEN = 30
N_SEG = 2
N_COMB = VOCAB * MAX_LEN * N_SEG

NC = 2
NS = 16
NW = NC * NS

BATCH = 4096
SEQ = 30
B_TOT = BATCH * SEQ
CHUNK = 64
NBUF = 2
BPW = B_TOT // NW
NCHUNK = BPW // CHUNK


def _table_body(win_ref, wpos_ref, wseg_ref, g_ref, b_ref, out_ref):
    rid = lax.broadcasted_iota(jnp.int32, (N_COMB, 1), 0)
    v = rid // (MAX_LEN * N_SEG)
    p = (rid // N_SEG) % MAX_LEN
    g = rid % N_SEG
    oh_v = (v == lax.broadcasted_iota(jnp.int32, (N_COMB, VOCAB), 1)).astype(jnp.float32)
    oh_p = (p == lax.broadcasted_iota(jnp.int32, (N_COMB, MAX_LEN), 1)).astype(jnp.float32)
    oh_g = (g == lax.broadcasted_iota(jnp.int32, (N_COMB, N_SEG), 1)).astype(jnp.float32)
    f = (jnp.dot(oh_v, win_ref[...], preferred_element_type=jnp.float32)
         + jnp.dot(oh_p, wpos_ref[...], preferred_element_type=jnp.float32)
         + jnp.dot(oh_g, wseg_ref[...], preferred_element_type=jnp.float32))
    mean = jnp.mean(f, axis=1, keepdims=True)
    d = f - mean
    var = jnp.mean(d * d, axis=1, keepdims=True)
    out_ref[...] = (d * lax.rsqrt(var + 1e-5)) * g_ref[...] + b_ref[...]


def _build_table(w_in, w_pos, w_seg, gamma, beta):
    return pl.pallas_call(
        _table_body,
        out_shape=jax.ShapeDtypeStruct((N_COMB, D_MODEL), jnp.float32),
    )(w_in, w_pos, w_seg, gamma.reshape(1, D_MODEL), beta.reshape(1, D_MODEL))


@functools.cache
def _make_gather_kernel():
    @functools.partial(
        pl.kernel,
        out_type=jax.ShapeDtypeStruct((B_TOT, D_MODEL), jnp.float32),
        mesh=plsc.VectorSubcoreMesh(core_axis_name="c", subcore_axis_name="s"),
        scratch_types=[
            pltpu.VMEM((BPW,), jnp.int32),
            pltpu.VMEM((BPW,), jnp.int32),
            pltpu.VMEM((BPW,), jnp.int32),
            pltpu.VMEM((NCHUNK, CHUNK), jnp.int32),
            pltpu.VMEM((NBUF, CHUNK, D_MODEL), jnp.float32),
            pltpu.SemaphoreType.DMA,
            pltpu.SemaphoreType.DMA,
        ],
    )
    def _gather_kernel(table, it_hbm, pt_hbm, st_hbm, out, it_v, pt_v, st_v,
                       idx_v, rows_v, gsem, wsem):
        c = lax.axis_index("c")
        s = lax.axis_index("s")
        wid = s * NC + c
        base = wid * BPW
        pltpu.sync_copy(it_hbm.at[pl.ds(base, BPW)], it_v)
        pltpu.sync_copy(pt_hbm.at[pl.ds(base, BPW)], pt_v)
        pltpu.sync_copy(st_hbm.at[pl.ds(base, BPW)], st_v)

        def idx_body(ci, carry):
            for j in range(CHUNK // 16):
                sl = pl.ds(ci * CHUNK + j * 16, 16)
                r = (it_v[sl] * (MAX_LEN * N_SEG) + pt_v[sl] * N_SEG + st_v[sl])
                idx_v[ci, pl.ds(j * 16, 16)] = r
            return carry

        lax.fori_loop(0, NCHUNK, idx_body, 0)

        def start_gather(ci, b):
            pltpu.async_copy(table.at[idx_v.at[ci]], rows_v.at[b], gsem)

        def wait_gather(b):
            pltpu.make_async_copy(table.at[pl.ds(0, CHUNK)], rows_v.at[b], gsem).wait()

        def start_write(ci, b):
            pltpu.async_copy(rows_v.at[b], out.at[pl.ds(base + ci * CHUNK, CHUNK)], wsem)

        def wait_write(b):
            pltpu.make_async_copy(rows_v.at[b], out.at[pl.ds(base, CHUNK)], wsem).wait()

        for b in range(NBUF):
            start_gather(b, b)

        def grp_body(cp, carry):
            for b in range(NBUF):
                ci = cp * NBUF + b
                wait_gather(b)
                start_write(ci, b)

                @pl.when(ci + NBUF < NCHUNK)
                def _refill():
                    wait_write(b)
                    start_gather(ci + NBUF, b)

            return carry

        lax.fori_loop(0, NCHUNK // NBUF, grp_body, 0)
        for b in range(NBUF):
            wait_write(b)

    return _gather_kernel


def kernel(input_token, pos_token, segment_token, W_in, W_seg, W_pos, gamma, beta):
    table = _build_table(W_in, W_pos, W_seg, gamma, beta)

    def tp(a):
        return a.astype(jnp.int32).T.reshape(-1)

    out = _make_gather_kernel()(table, tp(input_token), tp(pos_token),
                                tp(segment_token))
    return out.reshape(SEQ, BATCH, D_MODEL).transpose(1, 0, 2)

# --- scband reference (transcript-rebuilt; emitter-appended) ---
"""Pipeline reference for scband-embedding-7327214207254 (READ-ONLY COPY).

The authoritative reference and input builder live on the scoring server;
editing this copy changes nothing except your own understanding.
"""

import jax, jax.numpy as jnp
import numpy as np

D_MODEL = 768
MAX_LEN = 30
VOCAB_SIZE = 4
N_SEG = 2
BATCH = 4096
SEQ = 30


def setup_inputs(seed: int = 0) -> dict:
    key = jax.random.key(seed)
    ks = jax.random.split(key, 8)
    input_token = jax.random.randint(ks[0], (BATCH, SEQ), 0, VOCAB_SIZE, dtype=jnp.int64 if jax.config.jax_enable_x64 else jnp.int32)
    pos_token = jax.random.randint(ks[1], (BATCH, SEQ), 0, MAX_LEN, dtype=input_token.dtype)
    segment_token = jax.random.randint(ks[2], (BATCH, SEQ), 0, N_SEG, dtype=input_token.dtype)
    W_in = jax.random.normal(ks[3], (VOCAB_SIZE, D_MODEL), dtype=jnp.float32)
    W_seg = jax.random.normal(ks[4], (N_SEG, D_MODEL), dtype=jnp.float32)
    W_pos = jax.random.normal(ks[5], (MAX_LEN, D_MODEL), dtype=jnp.float32)
    gamma = jnp.ones((D_MODEL,), dtype=jnp.float32)
    beta = jnp.zeros((D_MODEL,), dtype=jnp.float32)
    return {
        "input_token": input_token,
        "pos_token": pos_token,
        "segment_token": segment_token,
        "W_in": W_in,
        "W_seg": W_seg,
        "W_pos": W_pos,
        "gamma": gamma,
        "beta": beta,
    }


def reference(input_token, pos_token, segment_token, W_in, W_seg, W_pos, gamma, beta):
    # embedding lookups (gather)
    emb = jnp.take(W_in, input_token, axis=0) + jnp.take(W_pos, pos_token, axis=0) + jnp.take(W_seg, segment_token, axis=0)
    # LayerNorm over last dim (torch uses biased variance, eps=1e-5)
    mean = jnp.mean(emb, axis=-1, keepdims=True)
    var = jnp.mean(jnp.square(emb - mean), axis=-1, keepdims=True)
    normed = (emb - mean) / jnp.sqrt(var + 1e-5)
    return normed * gamma + beta

if __name__ == "__main__":
    import jax
    _d = setup_inputs()
    print(jax.jit(kernel)(*tuple(_d.values())))

</pallas_src>

<mosaic_0001>
#map = affine_map<(d0, d1) -> (0, 0)>
#map1 = affine_map<(d0, d1) -> (0)>
module attributes {stable_mosaic.version = 14 : i64} {
  func.func @_gather_kernel(%arg0: i32, %arg1: i32, %arg2: memref<240x768xf32, #tpu.memory_space<hbm>>, %arg3: memref<122880xi32, #tpu.memory_space<hbm>>, %arg4: memref<122880xi32, #tpu.memory_space<hbm>>, %arg5: memref<122880xi32, #tpu.memory_space<hbm>>, %arg6: memref<122880x768xf32, #tpu.memory_space<hbm>>, %arg7: memref<3840xi32, #tpu.memory_space<vmem>>, %arg8: memref<3840xi32, #tpu.memory_space<vmem>>, %arg9: memref<3840xi32, #tpu.memory_space<vmem>>, %arg10: memref<60x64xi32, #tpu.memory_space<vmem>>, %arg11: memref<2x64x768xf32, #tpu.memory_space<vmem>>, %arg12: memref<!tpu.dma_semaphore, #tpu.memory_space<semaphore_mem>>, %arg13: memref<!tpu.dma_semaphore, #tpu.memory_space<semaphore_mem>>) attributes {dimension_semantics = [#tpu.dimension_semantics<core_parallel>, #tpu.dimension_semantics<subcore_parallel>], iteration_bounds = array<i64: 2, 16>, scalar_prefetch = 0 : i64, scratch_operands = 7 : i64, tpu.core_type = #tpu.core_type<sc_vector_subcore>, window_params = [{transform_indices = #map}, {transform_indices = #map1}, {transform_indices = #map1}, {transform_indices = #map1}, {transform_indices = #map}]} {
    %mul3A = arith.constant 2 : i32
    %mul3A_0 = arith.muli %arg1, %mul3A : i32
    %add3A = arith.addi %mul3A_0, %arg0 : i32
    %mul3A_1 = arith.constant 3840 : i32
    %mul3A_2 = arith.muli %add3A, %mul3A_1 : i32
    "tpu.region"() ({
      %run_scoped3A = tpu.sem_alloc : memref<!tpu.dma_semaphore, #tpu.memory_space<semaphore_mem>>
      %dma_start3A_62 = tpu.memref_slice %arg3[%mul3A_2] : memref<122880xi32, #tpu.memory_space<hbm>> -> memref<3840xi32, #tpu.memory_space<hbm>>
      %dma_start3A_63 = tpu.memref_slice %arg3[%mul3A_2] : memref<122880xi32, #tpu.memory_space<hbm>> -> memref<3840xi32, #tpu.memory_space<hbm>>
      tpu.enqueue_dma source(%dma_start3A_63 : memref<3840xi32, #tpu.memory_space<hbm>>) target(%arg7 : memref<3840xi32, #tpu.memory_space<vmem>>) target_semaphore(%run_scoped3A : memref<!tpu.dma_semaphore, #tpu.memory_space<semaphore_mem>>)
      %dma_wait3A_64 = tpu.memref_slice %arg3[%mul3A_2] : memref<122880xi32, #tpu.memory_space<hbm>> -> memref<3840xi32, #tpu.memory_space<hbm>>
      %dma_wait3A_65 = tpu.memref_slice %arg3[%mul3A_2] : memref<122880xi32, #tpu.memory_space<hbm>> -> memref<3840xi32, #tpu.memory_space<hbm>>
      tpu.wait_dma2 semaphore(%run_scoped3A : memref<!tpu.dma_semaphore, #tpu.memory_space<semaphore_mem>>) src(%dma_wait3A_65 : memref<3840xi32, #tpu.memory_space<hbm>>) dst(%arg7 : memref<3840xi32, #tpu.memory_space<vmem>>)
      tpu.yield
    }) : () -> ()
    "tpu.region"() ({
      %run_scoped3A = tpu.sem_alloc : memref<!tpu.dma_semaphore, #tpu.memory_space<semaphore_mem>>
      %dma_start3A_62 = tpu.memref_slice %arg4[%mul3A_2] : memref<122880xi32, #tpu.memory_space<hbm>> -> memref<3840xi32, #tpu.memory_space<hbm>>
      %dma_start3A_63 = tpu.memref_slice %arg4[%mul3A_2] : memref<122880xi32, #tpu.memory_space<hbm>> -> memref<3840xi32, #tpu.memory_space<hbm>>
      tpu.enqueue_dma source(%dma_start3A_63 : memref<3840xi32, #tpu.memory_space<hbm>>) target(%arg8 : memref<3840xi32, #tpu.memory_space<vmem>>) target_semaphore(%run_scoped3A : memref<!tpu.dma_semaphore, #tpu.memory_space<semaphore_mem>>)
      %dma_wait3A_64 = tpu.memref_slice %arg4[%mul3A_2] : memref<122880xi32, #tpu.memory_space<hbm>> -> memref<3840xi32, #tpu.memory_space<hbm>>
      %dma_wait3A_65 = tpu.memref_slice %arg4[%mul3A_2] : memref<122880xi32, #tpu.memory_space<hbm>> -> memref<3840xi32, #tpu.memory_space<hbm>>
      tpu.wait_dma2 semaphore(%run_scoped3A : memref<!tpu.dma_semaphore, #tpu.memory_space<semaphore_mem>>) src(%dma_wait3A_65 : memref<3840xi32, #tpu.memory_space<hbm>>) dst(%arg8 : memref<3840xi32, #tpu.memory_space<vmem>>)
      tpu.yield
    }) : () -> ()
    "tpu.region"() ({
      %run_scoped3A = tpu.sem_alloc : memref<!tpu.dma_semaphore, #tpu.memory_space<semaphore_mem>>
      %dma_start3A_62 = tpu.memref_slice %arg5[%mul3A_2] : memref<122880xi32, #tpu.memory_space<hbm>> -> memref<3840xi32, #tpu.memory_space<hbm>>
      %dma_start3A_63 = tpu.memref_slice %arg5[%mul3A_2] : memref<122880xi32, #tpu.memory_space<hbm>> -> memref<3840xi32, #tpu.memory_space<hbm>>
      tpu.enqueue_dma source(%dma_start3A_63 : memref<3840xi32, #tpu.memory_space<hbm>>) target(%arg9 : memref<3840xi32, #tpu.memory_space<vmem>>) target_semaphore(%run_scoped3A : memref<!tpu.dma_semaphore, #tpu.memory_space<semaphore_mem>>)
      %dma_wait3A_64 = tpu.memref_slice %arg5[%mul3A_2] : memref<122880xi32, #tpu.memory_space<hbm>> -> memref<3840xi32, #tpu.memory_space<hbm>>
      %dma_wait3A_65 = tpu.memref_slice %arg5[%mul3A_2] : memref<122880xi32, #tpu.memory_space<hbm>> -> memref<3840xi32, #tpu.memory_space<hbm>>
      tpu.wait_dma2 semaphore(%run_scoped3A : memref<!tpu.dma_semaphore, #tpu.memory_space<semaphore_mem>>) src(%dma_wait3A_65 : memref<3840xi32, #tpu.memory_space<hbm>>) dst(%arg9 : memref<3840xi32, #tpu.memory_space<vmem>>)
      tpu.yield
    }) : () -> ()
    %scan3A = arith.constant 0 : i32
    %scan3A_3 = arith.constant 0 : i32
    %scan3A_4 = arith.constant 60 : i32
    %scan3A_5 = arith.addi %scan3A_3, %scan3A_4 : i32
    %scan3A_6 = arith.constant 1 : i32
    scf.for %scan3A_62 = %scan3A_3 to %scan3A_5 step %scan3A_6  : i32 {
      %mul3A_63 = arith.constant 64 : i32
      %mul3A_64 = arith.muli %scan3A_62, %mul3A_63 : i32
      %add3A_65 = arith.constant 0 : i32
      %add3A_66 = arith.addi %mul3A_64, %add3A_65 : i32
      %get3A = arith.index_cast %add3A_66 : i32 to index
      %get3A_67 = tpu.vector_load %arg7[%get3A] {strides = array<i32>} : memref<3840xi32, #tpu.memory_space<vmem>>, vector<16xi32>,
      %get3A_68 = vector.shape_cast %get3A_67 : vector<16xi32> to vector<16xi32>
      %mul3A_69 = arith.constant 60 : i32
      %mul3A_70 = vector.broadcast %mul3A_69 : i32 to vector<16xi32>
      %mul3A_71 = arith.muli %get3A_68, %mul3A_70 : vector<16xi32>
      %get3A_72 = arith.index_cast %add3A_66 : i32 to index
      %get3A_73 = tpu.vector_load %arg8[%get3A_72] {strides = array<i32>} : memref<3840xi32, #tpu.memory_space<vmem>>, vector<16xi32>,
      %get3A_74 = vector.shape_cast %get3A_73 : vector<16xi32> to vector<16xi32>
      %mul3A_75 = arith.constant 2 : i32
      %mul3A_76 = vector.broadcast %mul3A_75 : i32 to vector<16xi32>
      %mul3A_77 = arith.muli %get3A_74, %mul3A_76 : vector<16xi32>
      %add3A_78 = arith.addi %mul3A_71, %mul3A_77 : vector<16xi32>
      %get3A_79 = arith.index_cast %add3A_66 : i32 to index
      %get3A_80 = tpu.vector_load %arg9[%get3A_79] {strides = array<i32>} : memref<3840xi32, #tpu.memory_space<vmem>>, vector<16xi32>,
      %get3A_81 = vector.shape_cast %get3A_80 : vector<16xi32> to vector<16xi32>
      %add3A_82 = arith.addi %add3A_78, %get3A_81 : vector<16xi32>
      %swap3A = arith.index_cast %scan3A_62 : i32 to index
      %swap3A_83 = arith.constant 0 : index
      %swap3A_84 = tpu.vector_load %arg10[%swap3A, %swap3A_83] {strides = array<i32>} : memref<60x64xi32, #tpu.memory_space<vmem>>, vector<1x16xi32>,
      %swap3A_85 = vector.shape_cast %swap3A_84 : vector<1x16xi32> to vector<16xi32>
      %swap3A_86 = vector.shape_cast %add3A_82 : vector<16xi32> to vector<1x16xi32>
      tpu.vector_store %arg10[%swap3A, %swap3A_83], %swap3A_86 {strides = array<i32>} : memref<60x64xi32, #tpu.memory_space<vmem>>, vector<1x16xi32>,
      %mul3A_87 = arith.constant 64 : i32
      %mul3A_88 = arith.muli %scan3A_62, %mul3A_87 : i32
      %add3A_89 = arith.constant 16 : i32
      %add3A_90 = arith.addi %mul3A_88, %add3A_89 : i32
      %get3A_91 = arith.index_cast %add3A_90 : i32 to index
      %get3A_92 = tpu.vector_load %arg7[%get3A_91] {strides = array<i32>} : memref<3840xi32, #tpu.memory_space<vmem>>, vector<16xi32>,
      %get3A_93 = vector.shape_cast %get3A_92 : vector<16xi32> to vector<16xi32>
      %mul3A_94 = arith.constant 60 : i32
      %mul3A_95 = vector.broadcast %mul3A_94 : i32 to vector<16xi32>
      %mul3A_96 = arith.muli %get3A_93, %mul3A_95 : vector<16xi32>
      %get3A_97 = arith.index_cast %add3A_90 : i32 to index
      %get3A_98 = tpu.vector_load %arg8[%get3A_97] {strides = array<i32>} : memref<3840xi32, #tpu.memory_space<vmem>>, vector<16xi32>,
      %get3A_99 = vector.shape_cast %get3A_98 : vector<16xi32> to vector<16xi32>
      %mul3A_100 = arith.constant 2 : i32
      %mul3A_101 = vector.broadcast %mul3A_100 : i32 to vector<16xi32>
      %mul3A_102 = arith.muli %get3A_99, %mul3A_101 : vector<16xi32>
      %add3A_103 = arith.addi %mul3A_96, %mul3A_102 : vector<16xi32>
      %get3A_104 = arith.index_cast %add3A_90 : i32 to index
      %get3A_105 = tpu.vector_load %arg9[%get3A_104] {strides = array<i32>} : memref<3840xi32, #tpu.memory_space<vmem>>, vector<16xi32>,
      %get3A_106 = vector.shape_cast %get3A_105 : vector<16xi32> to vector<16xi32>
      %add3A_107 = arith.addi %add3A_103, %get3A_106 : vector<16xi32>
      %swap3A_108 = arith.index_cast %scan3A_62 : i32 to index
      %swap3A_109 = arith.constant 16 : index
      %swap3A_110 = tpu.vector_load %arg10[%swap3A_108, %swap3A_109] {strides = array<i32>} : memref<60x64xi32, #tpu.memory_space<vmem>>, vector<1x16xi32>,
      %swap3A_111 = vector.shape_cast %swap3A_110 : vector<1x16xi32> to vector<16xi32>
      %swap3A_112 = vector.shape_cast %add3A_107 : vector<16xi32> to vector<1x16xi32>
      tpu.vector_store %arg10[%swap3A_108, %swap3A_109], %swap3A_112 {strides = array<i32>} : memref<60x64xi32, #tpu.memory_space<vmem>>, vector<1x16xi32>,
      %mul3A_113 = arith.constant 64 : i32
      %mul3A_114 = arith.muli %scan3A_62, %mul3A_113 : i32
      %add3A_115 = arith.constant 32 : i32
      %add3A_116 = arith.addi %mul3A_114, %add3A_115 : i32
      %get3A_117 = arith.index_cast %add3A_116 : i32 to index
      %get3A_118 = tpu.vector_load %arg7[%get3A_117] {strides = array<i32>} : memref<3840xi32, #tpu.memory_space<vmem>>, vector<16xi32>,
      %get3A_119 = vector.shape_cast %get3A_118 : vector<16xi32> to vector<16xi32>
      %mul3A_120 = arith.constant 60 : i32
      %mul3A_121 = vector.broadcast %mul3A_120 : i32 to vector<16xi32>
      %mul3A_122 = arith.muli %get3A_119, %mul3A_121 : vector<16xi32>
      %get3A_123 = arith.index_cast %add3A_116 : i32 to index
      %get3A_124 = tpu.vector_load %arg8[%get3A_123] {strides = array<i32>} : memref<3840xi32, #tpu.memory_space<vmem>>, vector<16xi32>,
      %get3A_125 = vector.shape_cast %get3A_124 : vector<16xi32> to vector<16xi32>
      %mul3A_126 = arith.constant 2 : i32
      %mul3A_127 = vector.broadcast %mul3A_126 : i32 to vector<16xi32>
      %mul3A_128 = arith.muli %get3A_125, %mul3A_127 : vector<16xi32>
      %add3A_129 = arith.addi %mul3A_122, %mul3A_128 : vector<16xi32>
      %get3A_130 = arith.index_cast %add3A_116 : i32 to index
      %get3A_131 = tpu.vector_load %arg9[%get3A_130] {strides = array<i32>} : memref<3840xi32, #tpu.memory_space<vmem>>, vector<16xi32>,
      %get3A_132 = vector.shape_cast %get3A_131 : vector<16xi32> to vector<16xi32>
      %add3A_133 = arith.addi %add3A_129, %get3A_132 : vector<16xi32>
      %swap3A_134 = arith.index_cast %scan3A_62 : i32 to index
      %swap3A_135 = arith.constant 32 : index
      %swap3A_136 = tpu.vector_load %arg10[%swap3A_134, %swap3A_135] {strides = array<i32>} : memref<60x64xi32, #tpu.memory_space<vmem>>, vector<1x16xi32>,
      %swap3A_137 = vector.shape_cast %swap3A_136 : vector<1x16xi32> to vector<16xi32>
      %swap3A_138 = vector.shape_cast %add3A_133 : vector<16xi32> to vector<1x16xi32>
      tpu.vector_store %arg10[%swap3A_134, %swap3A_135], %swap3A_138 {strides = array<i32>} : memref<60x64xi32, #tpu.memory_space<vmem>>, vector<1x16xi32>,
      %mul3A_139 = arith.constant 64 : i32
      %mul3A_140 = arith.muli %scan3A_62, %mul3A_139 : i32
      %add3A_141 = arith.constant 48 : i32
      %add3A_142 = arith.addi %mul3A_140, %add3A_141 : i32
      %get3A_143 = arith.index_cast %add3A_142 : i32 to index
      %get3A_144 = tpu.vector_load %arg7[%get3A_143] {strides = array<i32>} : memref<3840xi32, #tpu.memory_space<vmem>>, vector<16xi32>,
      %get3A_145 = vector.shape_cast %get3A_144 : vector<16xi32> to vector<16xi32>
      %mul3A_146 = arith.constant 60 : i32
      %mul3A_147 = vector.broadcast %mul3A_146 : i32 to vector<16xi32>
      %mul3A_148 = arith.muli %get3A_145, %mul3A_147 : vector<16xi32>
      %get3A_149 = arith.index_cast %add3A_142 : i32 to index
      %get3A_150 = tpu.vector_load %arg8[%get3A_149] {strides = array<i32>} : memref<3840xi32, #tpu.memory_space<vmem>>, vector<16xi32>,
      %get3A_151 = vector.shape_cast %get3A_150 : vector<16xi32> to vector<16xi32>
      %mul3A_152 = arith.constant 2 : i32
      %mul3A_153 = vector.broadcast %mul3A_152 : i32 to vector<16xi32>
      %mul3A_154 = arith.muli %get3A_151, %mul3A_153 : vector<16xi32>
      %add3A_155 = arith.addi %mul3A_148, %mul3A_154 : vector<16xi32>
      %get3A_156 = arith.index_cast %add3A_142 : i32 to index
      %get3A_157 = tpu.vector_load %arg9[%get3A_156] {strides = array<i32>} : memref<3840xi32, #tpu.memory_space<vmem>>, vector<16xi32>,
      %get3A_158 = vector.shape_cast %get3A_157 : vector<16xi32> to vector<16xi32>
      %add3A_159 = arith.addi %add3A_155, %get3A_158 : vector<16xi32>
      %swap3A_160 = arith.index_cast %scan3A_62 : i32 to index
      %swap3A_161 = arith.constant 48 : index
      %swap3A_162 = tpu.vector_load %arg10[%swap3A_160, %swap3A_161] {strides = array<i32>} : memref<60x64xi32, #tpu.memory_space<vmem>>, vector<1x16xi32>,
      %swap3A_163 = vector.shape_cast %swap3A_162 : vector<1x16xi32> to vector<16xi32>
      %swap3A_164 = vector.shape_cast %add3A_159 : vector<16xi32> to vector<1x16xi32>
      tpu.vector_store %arg10[%swap3A_160, %swap3A_161], %swap3A_164 {strides = array<i32>} : memref<60x64xi32, #tpu.memory_space<vmem>>, vector<1x16xi32>,
    }
    %scan3A_7 = arith.constant 60 : i32
    %dma_start3A = arith.constant 0 : i32
    %dma_start3A_8 = arith.constant 0 : i32
    %dma_start3A_9 = arith.constant 0 : i32
    %dma_start3A_10 = arith.constant 0 : i32
    %dma_start3A_11 = tpu.memref_slice %arg11[%dma_start3A_8, %dma_start3A_9, %dma_start3A_10] : memref<2x64x768xf32, #tpu.memory_space<vmem>> -> memref<1x64x768xf32, #tpu.memory_space<vmem>>
    %dma_start3A_12 = tpu.memref_squeeze %dma_start3A_11 : memref<1x64x768xf32, #tpu.memory_space<vmem>> -> memref<64x768xf32, #tpu.memory_space<vmem>>
    %dma_start3A_13 = arith.constant 0 : i32
    %dma_start3A_14 = tpu.memref_slice %arg10[%dma_start3A, %dma_start3A_13] : memref<60x64xi32, #tpu.memory_space<vmem>> -> memref<1x64xi32, #tpu.memory_space<vmem>>
    %dma_start3A_15 = tpu.memref_squeeze %dma_start3A_14 : memref<1x64xi32, #tpu.memory_space<vmem>> -> memref<64xi32, #tpu.memory_space<vmem>>
    %dma_start3A_16 = arith.constant 0 : i32
    %dma_start3A_17 = arith.constant 0 : i32
    %dma_start3A_18 = tpu.memref_slice %arg2[%dma_start3A_16, %dma_start3A_17] : memref<240x768xf32, #tpu.memory_space<hbm>> -> memref<240x768xf32, #tpu.memory_space<hbm>>
    tpu.enqueue_indirect_dma source(%dma_start3A_18 : memref<240x768xf32, #tpu.memory_space<hbm>>) target(%dma_start3A_12 : memref<64x768xf32, #tpu.memory_space<vmem>>) offsets(%dma_start3A_15 : memref<64xi32, #tpu.memory_space<vmem>>) semaphore(%arg12 : memref<!tpu.dma_semaphore, #tpu.memory_space<semaphore_mem>>)
    %dma_start3A_19 = arith.constant 1 : i32
    %dma_start3A_20 = arith.constant 1 : i32
    %dma_start3A_21 = arith.constant 0 : i32
    %dma_start3A_22 = arith.constant 0 : i32
    %dma_start3A_23 = tpu.memref_slice %arg11[%dma_start3A_20, %dma_start3A_21, %dma_start3A_22] : memref<2x64x768xf32, #tpu.memory_space<vmem>> -> memref<1x64x768xf32, #tpu.memory_space<vmem>>
    %dma_start3A_24 = tpu.memref_squeeze %dma_start3A_23 : memref<1x64x768xf32, #tpu.memory_space<vmem>> -> memref<64x768xf32, #tpu.memory_space<vmem>>
    %dma_start3A_25 = arith.constant 0 : i32
    %dma_start3A_26 = tpu.memref_slice %arg10[%dma_start3A_19, %dma_start3A_25] : memref<60x64xi32, #tpu.memory_space<vmem>> -> memref<1x64xi32, #tpu.memory_space<vmem>>
    %dma_start3A_27 = tpu.memref_squeeze %dma_start3A_26 : memref<1x64xi32, #tpu.memory_space<vmem>> -> memref<64xi32, #tpu.memory_space<vmem>>
    %dma_start3A_28 = arith.constant 0 : i32
    %dma_start3A_29 = arith.constant 0 : i32
    %dma_start3A_30 = tpu.memref_slice %arg2[%dma_start3A_28, %dma_start3A_29] : memref<240x768xf32, #tpu.memory_space<hbm>> -> memref<240x768xf32, #tpu.memory_space<hbm>>
    tpu.enqueue_indirect_dma source(%dma_start3A_30 : memref<240x768xf32, #tpu.memory_space<hbm>>) target(%dma_start3A_24 : memref<64x768xf32, #tpu.memory_space<vmem>>) offsets(%dma_start3A_27 : memref<64xi32, #tpu.memory_space<vmem>>) semaphore(%arg12 : memref<!tpu.dma_semaphore, #tpu.memory_space<semaphore_mem>>)
    %scan3A_31 = arith.constant 0 : i32
    %scan3A_32 = arith.constant 0 : i32
    %scan3A_33 = arith.constant 30 : i32
    %scan3A_34 = arith.addi %scan3A_32, %scan3A_33 : i32
    %scan3A_35 = arith.constant 1 : i32
    scf.for %scan3A_62 = %scan3A_32 to %scan3A_34 step %scan3A_35  : i32 {
      %mul3A_63 = arith.constant 2 : i32
      %mul3A_64 = arith.muli %scan3A_62, %mul3A_63 : i32
      %add3A_65 = arith.constant 0 : i32
      %add3A_66 = arith.addi %mul3A_64, %add3A_65 : i32
      %dma_wait3A_67 = arith.constant 0 : i32
      %dma_wait3A_68 = arith.constant 0 : i32
      %dma_wait3A_69 = arith.constant 0 : i32
      %dma_wait3A_70 = tpu.memref_slice %arg11[%dma_wait3A_67, %dma_wait3A_68, %dma_wait3A_69] : memref<2x64x768xf32, #tpu.memory_space<vmem>> -> memref<1x64x768xf32, #tpu.memory_space<vmem>>
      %dma_wait3A_71 = tpu.memref_squeeze %dma_wait3A_70 : memref<1x64x768xf32, #tpu.memory_space<vmem>> -> memref<64x768xf32, #tpu.memory_space<vmem>>
      %dma_wait3A_72 = arith.constant 0 : i32
      %dma_wait3A_73 = arith.constant 0 : i32
      %dma_wait3A_74 = tpu.memref_slice %arg2[%dma_wait3A_72, %dma_wait3A_73] : memref<240x768xf32, #tpu.memory_space<hbm>> -> memref<64x768xf32, #tpu.memory_space<hbm>>
      %dma_wait3A_75 = arith.constant 0 : i32
      %dma_wait3A_76 = arith.constant 0 : i32
      %dma_wait3A_77 = tpu.memref_slice %arg11[%dma_wait3A_67, %dma_wait3A_75, %dma_wait3A_76] : memref<2x64x768xf32, #tpu.memory_space<vmem>> -> memref<1x64x768xf32, #tpu.memory_space<vmem>>
      %dma_wait3A_78 = tpu.memref_squeeze %dma_wait3A_77 : memref<1x64x768xf32, #tpu.memory_space<vmem>> -> memref<64x768xf32, #tpu.memory_space<vmem>>
      %dma_wait3A_79 = arith.constant 0 : i32
      %dma_wait3A_80 = arith.constant 0 : i32
      %dma_wait3A_81 = tpu.memref_slice %arg2[%dma_wait3A_79, %dma_wait3A_80] : memref<240x768xf32, #tpu.memory_space<hbm>> -> memref<64x768xf32, #tpu.memory_space<hbm>>
      tpu.wait_dma2 semaphore(%arg12 : memref<!tpu.dma_semaphore, #tpu.memory_space<semaphore_mem>>) src(%dma_wait3A_81 : memref<64x768xf32, #tpu.memory_space<hbm>>) dst(%dma_wait3A_78 : memref<64x768xf32, #tpu.memory_space<vmem>>)
      %mul3A_82 = arith.constant 64 : i32
      %mul3A_83 = arith.muli %add3A_66, %mul3A_82 : i32
      %add3A_84 = arith.addi %mul3A_2, %mul3A_83 : i32
      %dma_start3A_85 = arith.constant 0 : i32
      %dma_start3A_86 = arith.constant 0 : i32
      %dma_start3A_87 = arith.constant 0 : i32
      %dma_start3A_88 = tpu.memref_slice %arg11[%dma_start3A_85, %dma_start3A_86, %dma_start3A_87] : memref<2x64x768xf32, #tpu.memory_space<vmem>> -> memref<1x64x768xf32, #tpu.memory_space<vmem>>
      %dma_start3A_89 = tpu.memref_squeeze %dma_start3A_88 : memref<1x64x768xf32, #tpu.memory_space<vmem>> -> memref<64x768xf32, #tpu.memory_space<vmem>>
      %dma_start3A_90 = arith.constant 0 : i32
      %dma_start3A_91 = tpu.memref_slice %arg6[%add3A_84, %dma_start3A_90] : memref<122880x768xf32, #tpu.memory_space<hbm>> -> memref<64x768xf32, #tpu.memory_space<hbm>>
      %dma_start3A_92 = arith.constant 0 : i32
      %dma_start3A_93 = tpu.memref_slice %arg6[%add3A_84, %dma_start3A_92] : memref<122880x768xf32, #tpu.memory_space<hbm>> -> memref<64x768xf32, #tpu.memory_space<hbm>>
      %dma_start3A_94 = arith.constant 0 : i32
      %dma_start3A_95 = arith.constant 0 : i32
      %dma_start3A_96 = tpu.memref_slice %arg11[%dma_start3A_85, %dma_start3A_94, %dma_start3A_95] : memref<2x64x768xf32, #tpu.memory_space<vmem>> -> memref<1x64x768xf32, #tpu.memory_space<vmem>>
      %dma_start3A_97 = tpu.memref_squeeze %dma_start3A_96 : memref<1x64x768xf32, #tpu.memory_space<vmem>> -> memref<64x768xf32, #tpu.memory_space<vmem>>
      tpu.enqueue_dma source(%dma_start3A_97 : memref<64x768xf32, #tpu.memory_space<vmem>>) target(%dma_start3A_93 : memref<64x768xf32, #tpu.memory_space<hbm>>) target_semaphore(%arg13 : memref<!tpu.dma_semaphore, #tpu.memory_space<semaphore_mem>>)
      %add3A_98 = arith.constant 2 : i32
      %add3A_99 = arith.addi %add3A_66, %add3A_98 : i32
      %lt3A = arith.constant 60 : i32
      %lt3A_100 = arith.cmpi slt, %add3A_99, %lt3A : i32
      %convert_element_type3A = arith.extui %lt3A_100 : i1 to i32
      %cond3A = arith.constant 0 : i32
      %cond3A_101 = arith.cmpi ne, %convert_element_type3A, %cond3A : i32
      scf.if %cond3A_101 {
        %dma_wait3A_144 = arith.constant 0 : i32
        %dma_wait3A_145 = arith.constant 0 : i32
        %dma_wait3A_146 = arith.constant 0 : i32
        %dma_wait3A_147 = tpu.memref_slice %arg11[%dma_wait3A_144, %dma_wait3A_145, %dma_wait3A_146] : memref<2x64x768xf32, #tpu.memory_space<vmem>> -> memref<1x64x768xf32, #tpu.memory_space<vmem>>
        %dma_wait3A_148 = tpu.memref_squeeze %dma_wait3A_147 : memref<1x64x768xf32, #tpu.memory_space<vmem>> -> memref<64x768xf32, #tpu.memory_space<vmem>>
        %dma_wait3A_149 = arith.constant 0 : i32
        %dma_wait3A_150 = tpu.memref_slice %arg6[%mul3A_2, %dma_wait3A_149] : memref<122880x768xf32, #tpu.memory_space<hbm>> -> memref<64x768xf32, #tpu.memory_space<hbm>>
        %dma_wait3A_151 = arith.constant 0 : i32
        %dma_wait3A_152 = tpu.memref_slice %arg6[%mul3A_2, %dma_wait3A_151] : memref<122880x768xf32, #tpu.memory_space<hbm>> -> memref<64x768xf32, #tpu.memory_space<hbm>>
        %dma_wait3A_153 = arith.constant 0 : i32
        %dma_wait3A_154 = arith.constant 0 : i32
        %dma_wait3A_155 = tpu.memref_slice %arg11[%dma_wait3A_144, %dma_wait3A_153, %dma_wait3A_154] : memref<2x64x768xf32, #tpu.memory_space<vmem>> -> memref<1x64x768xf32, #tpu.memory_space<vmem>>
        %dma_wait3A_156 = tpu.memref_squeeze %dma_wait3A_155 : memref<1x64x768xf32, #tpu.memory_space<vmem>> -> memref<64x768xf32, #tpu.memory_space<vmem>>
        tpu.wait_dma2 semaphore(%arg13 : memref<!tpu.dma_semaphore, #tpu.memory_space<semaphore_mem>>) src(%dma_wait3A_156 : memref<64x768xf32, #tpu.memory_space<vmem>>) dst(%dma_wait3A_152 : memref<64x768xf32, #tpu.memory_space<hbm>>)
        %add3A_157 = arith.constant 2 : i32
        %add3A_158 = arith.addi %add3A_66, %add3A_157 : i32
        %dma_start3A_159 = arith.constant 0 : i32
        %dma_start3A_160 = arith.constant 0 : i32
        %dma_start3A_161 = arith.constant 0 : i32
        %dma_start3A_162 = tpu.memref_slice %arg11[%dma_start3A_159, %dma_start3A_160, %dma_start3A_161] : memref<2x64x768xf32, #tpu.memory_space<vmem>> -> memref<1x64x768xf32, #tpu.memory_space<vmem>>
        %dma_start3A_163 = tpu.memref_squeeze %dma_start3A_162 : memref<1x64x768xf32, #tpu.memory_space<vmem>> -> memref<64x768xf32, #tpu.memory_space<vmem>>
        %dma_start3A_164 = arith.constant 0 : i32
        %dma_start3A_165 = tpu.memref_slice %arg10[%add3A_158, %dma_start3A_164] : memref<60x64xi32, #tpu.memory_space<vmem>> -> memref<1x64xi32, #tpu.memory_space<vmem>>
        %dma_start3A_166 = tpu.memref_squeeze %dma_start3A_165 : memref<1x64xi32, #tpu.memory_space<vmem>> -> memref<64xi32, #tpu.memory_space<vmem>>
        %dma_start3A_167 = arith.constant 0 : i32
        %dma_start3A_168 = arith.constant 0 : i32
        %dma_start3A_169 = tpu.memref_slice %arg2[%dma_start3A_167, %dma_start3A_168] : memref<240x768xf32, #tpu.memory_space<hbm>> -> memref<240x768xf32, #tpu.memory_space<hbm>>
        tpu.enqueue_indirect_dma source(%dma_start3A_169 : memref<240x768xf32, #tpu.memory_space<hbm>>) target(%dma_start3A_163 : memref<64x768xf32, #tpu.memory_space<vmem>>) offsets(%dma_start3A_166 : memref<64xi32, #tpu.memory_space<vmem>>) semaphore(%arg12 : memref<!tpu.dma_semaphore, #tpu.memory_space<semaphore_mem>>)
      } else {
      }
      %mul3A_102 = arith.constant 2 : i32
      %mul3A_103 = arith.muli %scan3A_62, %mul3A_102 : i32
      %add3A_104 = arith.constant 1 : i32
      %add3A_105 = arith.addi %mul3A_103, %add3A_104 : i32
      %dma_wait3A_106 = arith.constant 1 : i32
      %dma_wait3A_107 = arith.constant 0 : i32
      %dma_wait3A_108 = arith.constant 0 : i32
      %dma_wait3A_109 = tpu.memref_slice %arg11[%dma_wait3A_106, %dma_wait3A_107, %dma_wait3A_108] : memref<2x64x768xf32, #tpu.memory_space<vmem>> -> memref<1x64x768xf32, #tpu.memory_space<vmem>>
      %dma_wait3A_110 = tpu.memref_squeeze %dma_wait3A_109 : memref<1x64x768xf32, #tpu.memory_space<vmem>> -> memref<64x768xf32, #tpu.memory_space<vmem>>
      %dma_wait3A_111 = arith.constant 0 : i32
      %dma_wait3A_112 = arith.constant 0 : i32
      %dma_wait3A_113 = tpu.memref_slice %arg2[%dma_wait3A_111, %dma_wait3A_112] : memref<240x768xf32, #tpu.memory_space<hbm>> -> memref<64x768xf32, #tpu.memory_space<hbm>>
      %dma_wait3A_114 = arith.constant 0 : i32
      %dma_wait3A_115 = arith.constant 0 : i32
      %dma_wait3A_116 = tpu.memref_slice %arg11[%dma_wait3A_106, %dma_wait3A_114, %dma_wait3A_115] : memref<2x64x768xf32, #tpu.memory_space<vmem>> -> memref<1x64x768xf32, #tpu.memory_space<vmem>>
      %dma_wait3A_117 = tpu.memref_squeeze %dma_wait3A_116 : memref<1x64x768xf32, #tpu.memory_space<vmem>> -> memref<64x768xf32, #tpu.memory_space<vmem>>
      %dma_wait3A_118 = arith.constant 0 : i32
      %dma_wait3A_119 = arith.constant 0 : i32
      %dma_wait3A_120 = tpu.memref_slice %arg2[%dma_wait3A_118, %dma_wait3A_119] : memref<240x768xf32, #tpu.memory_space<hbm>> -> memref<64x768xf32, #tpu.memory_space<hbm>>
      tpu.wait_dma2 semaphore(%arg12 : memref<!tpu.dma_semaphore, #tpu.memory_space<semaphore_mem>>) src(%dma_wait3A_120 : memref<64x768xf32, #tpu.memory_space<hbm>>) dst(%dma_wait3A_117 : memref<64x768xf32, #tpu.memory_space<vmem>>)
      %mul3A_121 = arith.constant 64 : i32
      %mul3A_122 = arith.muli %add3A_105, %mul3A_121 : i32
      %add3A_123 = arith.addi %mul3A_2, %mul3A_122 : i32
      %dma_start3A_124 = arith.constant 1 : i32
      %dma_start3A_125 = arith.constant 0 : i32
      %dma_start3A_126 = arith.constant 0 : i32
      %dma_start3A_127 = tpu.memref_slice %arg11[%dma_start3A_124, %dma_start3A_125, %dma_start3A_126] : memref<2x64x768xf32, #tpu.memory_space<vmem>> -> memref<1x64x768xf32, #tpu.memory_space<vmem>>
      %dma_start3A_128 = tpu.memref_squeeze %dma_start3A_127 : memref<1x64x768xf32, #tpu.memory_space<vmem>> -> memref<64x768xf32, #tpu.memory_space<vmem>>
      %dma_start3A_129 = arith.constant 0 : i32
      %dma_start3A_130 = tpu.memref_slice %arg6[%add3A_123, %dma_start3A_129] : memref<122880x768xf32, #tpu.memory_space<hbm>> -> memref<64x768xf32, #tpu.memory_space<hbm>>
      %dma_start3A_131 = arith.constant 0 : i32
      %dma_start3A_132 = tpu.memref_slice %arg6[%add3A_123, %dma_start3A_131] : memref<122880x768xf32, #tpu.memory_space<hbm>> -> memref<64x768xf32, #tpu.memory_space<hbm>>
      %dma_start3A_133 = arith.constant 0 : i32
      %dma_start3A_134 = arith.constant 0 : i32
      %dma_start3A_135 = tpu.memref_slice %arg11[%dma_start3A_124, %dma_start3A_133, %dma_start3A_134] : memref<2x64x768xf32, #tpu.memory_space<vmem>> -> memref<1x64x768xf32, #tpu.memory_space<vmem>>
      %dma_start3A_136 = tpu.memref_squeeze %dma_start3A_135 : memref<1x64x768xf32, #tpu.memory_space<vmem>> -> memref<64x768xf32, #tpu.memory_space<vmem>>
      tpu.enqueue_dma source(%dma_start3A_136 : memref<64x768xf32, #tpu.memory_space<vmem>>) target(%dma_start3A_132 : memref<64x768xf32, #tpu.memory_space<hbm>>) target_semaphore(%arg13 : memref<!tpu.dma_semaphore, #tpu.memory_space<semaphore_mem>>)
      %add3A_137 = arith.constant 2 : i32
      %add3A_138 = arith.addi %add3A_105, %add3A_137 : i32
      %lt3A_139 = arith.constant 60 : i32
      %lt3A_140 = arith.cmpi slt, %add3A_138, %lt3A_139 : i32
      %convert_element_type3A_141 = arith.extui %lt3A_140 : i1 to i32
      %cond3A_142 = arith.constant 0 : i32
      %cond3A_143 = arith.cmpi ne, %convert_element_type3A_141, %cond3A_142 : i32
      scf.if %cond3A_143 {
        %dma_wait3A_144 = arith.constant 1 : i32
        %dma_wait3A_145 = arith.constant 0 : i32
        %dma_wait3A_146 = arith.constant 0 : i32
        %dma_wait3A_147 = tpu.memref_slice %arg11[%dma_wait3A_144, %dma_wait3A_145, %dma_wait3A_146] : memref<2x64x768xf32, #tpu.memory_space<vmem>> -> memref<1x64x768xf32, #tpu.memory_space<vmem>>
        %dma_wait3A_148 = tpu.memref_squeeze %dma_wait3A_147 : memref<1x64x768xf32, #tpu.memory_space<vmem>> -> memref<64x768xf32, #tpu.memory_space<vmem>>
        %dma_wait3A_149 = arith.constant 0 : i32
        %dma_wait3A_150 = tpu.memref_slice %arg6[%mul3A_2, %dma_wait3A_149] : memref<122880x768xf32, #tpu.memory_space<hbm>> -> memref<64x768xf32, #tpu.memory_space<hbm>>
        %dma_wait3A_151 = arith.constant 0 : i32
        %dma_wait3A_152 = tpu.memref_slice %arg6[%mul3A_2, %dma_wait3A_151] : memref<122880x768xf32, #tpu.memory_space<hbm>> -> memref<64x768xf32, #tpu.memory_space<hbm>>
        %dma_wait3A_153 = arith.constant 0 : i32
        %dma_wait3A_154 = arith.constant 0 : i32
        %dma_wait3A_155 = tpu.memref_slice %arg11[%dma_wait3A_144, %dma_wait3A_153, %dma_wait3A_154] : memref<2x64x768xf32, #tpu.memory_space<vmem>> -> memref<1x64x768xf32, #tpu.memory_space<vmem>>
        %dma_wait3A_156 = tpu.memref_squeeze %dma_wait3A_155 : memref<1x64x768xf32, #tpu.memory_space<vmem>> -> memref<64x768xf32, #tpu.memory_space<vmem>>
        tpu.wait_dma2 semaphore(%arg13 : memref<!tpu.dma_semaphore, #tpu.memory_space<semaphore_mem>>) src(%dma_wait3A_156 : memref<64x768xf32, #tpu.memory_space<vmem>>) dst(%dma_wait3A_152 : memref<64x768xf32, #tpu.memory_space<hbm>>)
        %add3A_157 = arith.constant 2 : i32
        %add3A_158 = arith.addi %add3A_105, %add3A_157 : i32
        %dma_start3A_159 = arith.constant 1 : i32
        %dma_start3A_160 = arith.constant 0 : i32
        %dma_start3A_161 = arith.constant 0 : i32
        %dma_start3A_162 = tpu.memref_slice %arg11[%dma_start3A_159, %dma_start3A_160, %dma_start3A_161] : memref<2x64x768xf32, #tpu.memory_space<vmem>> -> memref<1x64x768xf32, #tpu.memory_space<vmem>>
        %dma_start3A_163 = tpu.memref_squeeze %dma_start3A_162 : memref<1x64x768xf32, #tpu.memory_space<vmem>> -> memref<64x768xf32, #tpu.memory_space<vmem>>
        %dma_start3A_164 = arith.constant 0 : i32
        %dma_start3A_165 = tpu.memref_slice %arg10[%add3A_158, %dma_start3A_164] : memref<60x64xi32, #tpu.memory_space<vmem>> -> memref<1x64xi32, #tpu.memory_space<vmem>>
        %dma_start3A_166 = tpu.memref_squeeze %dma_start3A_165 : memref<1x64xi32, #tpu.memory_space<vmem>> -> memref<64xi32, #tpu.memory_space<vmem>>
        %dma_start3A_167 = arith.constant 0 : i32
        %dma_start3A_168 = arith.constant 0 : i32
        %dma_start3A_169 = tpu.memref_slice %arg2[%dma_start3A_167, %dma_start3A_168] : memref<240x768xf32, #tpu.memory_space<hbm>> -> memref<240x768xf32, #tpu.memory_space<hbm>>
        tpu.enqueue_indirect_dma source(%dma_start3A_169 : memref<240x768xf32, #tpu.memory_space<hbm>>) target(%dma_start3A_163 : memref<64x768xf32, #tpu.memory_space<vmem>>) offsets(%dma_start3A_166 : memref<64xi32, #tpu.memory_space<vmem>>) semaphore(%arg12 : memref<!tpu.dma_semaphore, #tpu.memory_space<semaphore_mem>>)
      } else {
      }
    }
    %scan3A_36 = arith.constant 30 : i32
    %dma_wait3A = arith.constant 0 : i32
    %dma_wait3A_37 = arith.constant 0 : i32
    %dma_wait3A_38 = arith.constant 0 : i32
    %dma_wait3A_39 = tpu.memref_slice %arg11[%dma_wait3A, %dma_wait3A_37, %dma_wait3A_38] : memref<2x64x768xf32, #tpu.memory_space<vmem>> -> memref<1x64x768xf32, #tpu.memory_space<vmem>>
    %dma_wait3A_40 = tpu.memref_squeeze %dma_wait3A_39 : memref<1x64x768xf32, #tpu.memory_space<vmem>> -> memref<64x768xf32, #tpu.memory_space<vmem>>
    %dma_wait3A_41 = arith.constant 0 : i32
    %dma_wait3A_42 = tpu.memref_slice %arg6[%mul3A_2, %dma_wait3A_41] : memref<122880x768xf32, #tpu.memory_space<hbm>> -> memref<64x768xf32, #tpu.memory_space<hbm>>
    %dma_wait3A_43 = arith.constant 0 : i32
    %dma_wait3A_44 = tpu.memref_slice %arg6[%mul3A_2, %dma_wait3A_43] : memref<122880x768xf32, #tpu.memory_space<hbm>> -> memref<64x768xf32, #tpu.memory_space<hbm>>
    %dma_wait3A_45 = arith.constant 0 : i32
    %dma_wait3A_46 = arith.constant 0 : i32
    %dma_wait3A_47 = tpu.memref_slice %arg11[%dma_wait3A, %dma_wait3A_45, %dma_wait3A_46] : memref<2x64x768xf32, #tpu.memory_space<vmem>> -> memref<1x64x768xf32, #tpu.memory_space<vmem>>
    %dma_wait3A_48 = tpu.memref_squeeze %dma_wait3A_47 : memref<1x64x768xf32, #tpu.memory_space<vmem>> -> memref<64x768xf32, #tpu.memory_space<vmem>>
    tpu.wait_dma2 semaphore(%arg13 : memref<!tpu.dma_semaphore, #tpu.memory_space<semaphore_mem>>) src(%dma_wait3A_48 : memref<64x768xf32, #tpu.memory_space<vmem>>) dst(%dma_wait3A_44 : memref<64x768xf32, #tpu.memory_space<hbm>>)
    %dma_wait3A_49 = arith.constant 1 : i32
    %dma_wait3A_50 = arith.constant 0 : i32
    %dma_wait3A_51 = arith.constant 0 : i32
    %dma_wait3A_52 = tpu.memref_slice %arg11[%dma_wait3A_49, %dma_wait3A_50, %dma_wait3A_51] : memref<2x64x768xf32, #tpu.memory_space<vmem>> -> memref<1x64x768xf32, #tpu.memory_space<vmem>>
    %dma_wait3A_53 = tpu.memref_squeeze %dma_wait3A_52 : memref<1x64x768xf32, #tpu.memory_space<vmem>> -> memref<64x768xf32, #tpu.memory_space<vmem>>
    %dma_wait3A_54 = arith.constant 0 : i32
    %dma_wait3A_55 = tpu.memref_slice %arg6[%mul3A_2, %dma_wait3A_54] : memref<122880x768xf32, #tpu.memory_space<hbm>> -> memref<64x768xf32, #tpu.memory_space<hbm>>
    %dma_wait3A_56 = arith.constant 0 : i32
    %dma_wait3A_57 = tpu.memref_slice %arg6[%mul3A_2, %dma_wait3A_56] : memref<122880x768xf32, #tpu.memory_space<hbm>> -> memref<64x768xf32, #tpu.memory_space<hbm>>
    %dma_wait3A_58 = arith.constant 0 : i32
    %dma_wait3A_59 = arith.constant 0 : i32
    %dma_wait3A_60 = tpu.memref_slice %arg11[%dma_wait3A_49, %dma_wait3A_58, %dma_wait3A_59] : memref<2x64x768xf32, #tpu.memory_space<vmem>> -> memref<1x64x768xf32, #tpu.memory_space<vmem>>
    %dma_wait3A_61 = tpu.memref_squeeze %dma_wait3A_60 : memref<1x64x768xf32, #tpu.memory_space<vmem>> -> memref<64x768xf32, #tpu.memory_space<vmem>>
    tpu.wait_dma2 semaphore(%arg13 : memref<!tpu.dma_semaphore, #tpu.memory_space<semaphore_mem>>) src(%dma_wait3A_61 : memref<64x768xf32, #tpu.memory_space<vmem>>) dst(%dma_wait3A_57 : memref<64x768xf32, #tpu.memory_space<hbm>>)
    return
  }
}

module attributes {stable_mosaic.version = 14 : i64} {
  func.func @_table_body(%arg0: memref<4x768xf32, #tpu.memory_space<vmem>>, %arg1: memref<30x768xf32, #tpu.memory_space<vmem>>, %arg2: memref<2x768xf32, #tpu.memory_space<vmem>>, %arg3: memref<1x768xf32, #tpu.memory_space<vmem>>, %arg4: memref<1x768xf32, #tpu.memory_space<vmem>>, %arg5: memref<240x768xf32, #tpu.memory_space<vmem>>) attributes {dimension_semantics = [], scalar_prefetch = 0 : i64, scratch_operands = 0 : i64, tpu.core_type = #tpu.core_type<tc>} {
    %iota3A = tpu.iota {dimensions = array<i32: 0>} : vector<240x1xi32>
    %jit3A = arith.constant 60 : i32
    %div3A = vector.broadcast %jit3A : i32 to vector<240x1xi32>
    %div3A_0 = arith.divsi %iota3A, %div3A : vector<240x1xi32>
    %sign3A = arith.constant 0 : i32
    %sign3A_1 = vector.broadcast %sign3A : i32 to vector<240x1xi32>
    %sign3A_2 = arith.cmpi sgt, %iota3A, %sign3A_1 : vector<240x1xi32>
    %sign3A_3 = arith.extui %sign3A_2 : vector<240x1xi1> to vector<240x1xi32>
    %sign3A_4 = arith.constant 0 : i32
    %sign3A_5 = vector.broadcast %sign3A_4 : i32 to vector<240x1xi32>
    %sign3A_6 = arith.cmpi slt, %iota3A, %sign3A_5 : vector<240x1xi32>
    %sign3A_7 = arith.extui %sign3A_6 : vector<240x1xi1> to vector<240x1xi32>
    %sign3A_8 = arith.subi %sign3A_3, %sign3A_7 : vector<240x1xi32>
    %sign3A_9 = arith.constant 0 : i32
    %sign3A_10 = arith.cmpi sgt, %jit3A, %sign3A_9 : i32
    %sign3A_11 = arith.extui %sign3A_10 : i1 to i32
    %sign3A_12 = arith.constant 0 : i32
    %sign3A_13 = arith.cmpi slt, %jit3A, %sign3A_12 : i32
    %sign3A_14 = arith.extui %sign3A_13 : i1 to i32
    %sign3A_15 = arith.subi %sign3A_11, %sign3A_14 : i32
    %ne3A = vector.broadcast %sign3A_15 : i32 to vector<240x1xi32>
    %ne3A_16 = arith.cmpi ne, %sign3A_8, %ne3A : vector<240x1xi32>
    %rem3A = vector.broadcast %jit3A : i32 to vector<240x1xi32>
    %rem3A_17 = arith.remsi %iota3A, %rem3A : vector<240x1xi32>
    %ne3A_18 = arith.constant 0 : i32
    %ne3A_19 = vector.broadcast %ne3A_18 : i32 to vector<240x1xi32>
    %ne3A_20 = arith.cmpi ne, %rem3A_17, %ne3A_19 : vector<240x1xi32>
    %and3A = arith.andi %ne3A_16, %ne3A_20 : vector<240x1xi1>
    %sub3A = arith.constant 1 : i32
    %sub3A_21 = vector.broadcast %sub3A : i32 to vector<240x1xi32>
    %sub3A_22 = arith.subi %div3A_0, %sub3A_21 : vector<240x1xi32>
    %select_n3A = arith.select %and3A, %sub3A_22, %div3A_0 : vector<240x1xi1>, vector<240x1xi32>
    %jit3A_23 = arith.constant 2 : i32
    %div3A_24 = vector.broadcast %jit3A_23 : i32 to vector<240x1xi32>
    %div3A_25 = arith.divsi %iota3A, %div3A_24 : vector<240x1xi32>
    %sign3A_26 = arith.constant 0 : i32
    %sign3A_27 = vector.broadcast %sign3A_26 : i32 to vector<240x1xi32>
    %sign3A_28 = arith.cmpi sgt, %iota3A, %sign3A_27 : vector<240x1xi32>
    %sign3A_29 = arith.extui %sign3A_28 : vector<240x1xi1> to vector<240x1xi32>
    %sign3A_30 = arith.constant 0 : i32
    %sign3A_31 = vector.broadcast %sign3A_30 : i32 to vector<240x1xi32>
    %sign3A_32 = arith.cmpi slt, %iota3A, %sign3A_31 : vector<240x1xi32>
    %sign3A_33 = arith.extui %sign3A_32 : vector<240x1xi1> to vector<240x1xi32>
    %sign3A_34 = arith.subi %sign3A_29, %sign3A_33 : vector<240x1xi32>
    %sign3A_35 = arith.constant 0 : i32
    %sign3A_36 = arith.cmpi sgt, %jit3A_23, %sign3A_35 : i32
    %sign3A_37 = arith.extui %sign3A_36 : i1 to i32
    %sign3A_38 = arith.constant 0 : i32
    %sign3A_39 = arith.cmpi slt, %jit3A_23, %sign3A_38 : i32
    %sign3A_40 = arith.extui %sign3A_39 : i1 to i32
    %sign3A_41 = arith.subi %sign3A_37, %sign3A_40 : i32
    %ne3A_42 = vector.broadcast %sign3A_41 : i32 to vector<240x1xi32>
    %ne3A_43 = arith.cmpi ne, %sign3A_34, %ne3A_42 : vector<240x1xi32>
    %rem3A_44 = vector.broadcast %jit3A_23 : i32 to vector<240x1xi32>
    %rem3A_45 = arith.remsi %iota3A, %rem3A_44 : vector<240x1xi32>
    %ne3A_46 = arith.constant 0 : i32
    %ne3A_47 = vector.broadcast %ne3A_46 : i32 to vector<240x1xi32>
    %ne3A_48 = arith.cmpi ne, %rem3A_45, %ne3A_47 : vector<240x1xi32>
    %and3A_49 = arith.andi %ne3A_43, %ne3A_48 : vector<240x1xi1>
    %sub3A_50 = arith.constant 1 : i32
    %sub3A_51 = vector.broadcast %sub3A_50 : i32 to vector<240x1xi32>
    %sub3A_52 = arith.subi %div3A_25, %sub3A_51 : vector<240x1xi32>
    %select_n3A_53 = arith.select %and3A_49, %sub3A_52, %div3A_25 : vector<240x1xi1>, vector<240x1xi32>
    %jit3A_54 = arith.constant 30 : i32
    %eq3A = arith.constant 0 : i32
    %eq3A_55 = arith.cmpi eq, %jit3A_54, %eq3A : i32
    %jit3A_56 = arith.constant 1 : i32
    %select_n3A_57 = arith.select %eq3A_55, %jit3A_56, %jit3A_54 : i32
    %rem3A_58 = vector.broadcast %select_n3A_57 : i32 to vector<240x1xi32>
    %rem3A_59 = arith.remsi %select_n3A_53, %rem3A_58 : vector<240x1xi32>
    %ne3A_60 = arith.constant 0 : i32
    %ne3A_61 = vector.broadcast %ne3A_60 : i32 to vector<240x1xi32>
    %ne3A_62 = arith.cmpi ne, %rem3A_59, %ne3A_61 : vector<240x1xi32>
    %lt3A = arith.constant 0 : i32
    %lt3A_63 = vector.broadcast %lt3A : i32 to vector<240x1xi32>
    %lt3A_64 = arith.cmpi slt, %rem3A_59, %lt3A_63 : vector<240x1xi32>
    %lt3A_65 = arith.constant 0 : i32
    %lt3A_66 = arith.cmpi slt, %select_n3A_57, %lt3A_65 : i32
    %ne3A_67 = vector.broadcast %lt3A_66 : i1 to vector<240x1xi1>
    %ne3A_68 = vector.broadcast %ne3A_67 : vector<240x1xi1> to vector<240x1xi1>
    %ne3A_69 = arith.xori %lt3A_64, %ne3A_68 : vector<240x1xi1>
    %and3A_70 = arith.andi %ne3A_69, %ne3A_62 : vector<240x1xi1>
    %add3A = vector.broadcast %select_n3A_57 : i32 to vector<240x1xi32>
    %add3A_71 = arith.addi %rem3A_59, %add3A : vector<240x1xi32>
    %select_n3A_72 = arith.select %and3A_70, %add3A_71, %rem3A_59 : vector<240x1xi1>, vector<240x1xi32>
    %jit3A_73 = arith.constant 2 : i32
    %eq3A_74 = arith.constant 0 : i32
    %eq3A_75 = arith.cmpi eq, %jit3A_73, %eq3A_74 : i32
    %jit3A_76 = arith.constant 1 : i32
    %select_n3A_77 = arith.select %eq3A_75, %jit3A_76, %jit3A_73 : i32
    %rem3A_78 = vector.broadcast %select_n3A_77 : i32 to vector<240x1xi32>
    %rem3A_79 = arith.remsi %iota3A, %rem3A_78 : vector<240x1xi32>
    %ne3A_80 = arith.constant 0 : i32
    %ne3A_81 = vector.broadcast %ne3A_80 : i32 to vector<240x1xi32>
    %ne3A_82 = arith.cmpi ne, %rem3A_79, %ne3A_81 : vector<240x1xi32>
    %lt3A_83 = arith.constant 0 : i32
    %lt3A_84 = vector.broadcast %lt3A_83 : i32 to vector<240x1xi32>
    %lt3A_85 = arith.cmpi slt, %rem3A_79, %lt3A_84 : vector<240x1xi32>
    %lt3A_86 = arith.constant 0 : i32
    %lt3A_87 = arith.cmpi slt, %select_n3A_77, %lt3A_86 : i32
    %ne3A_88 = vector.broadcast %lt3A_87 : i1 to vector<240x1xi1>
    %ne3A_89 = vector.broadcast %ne3A_88 : vector<240x1xi1> to vector<240x1xi1>
    %ne3A_90 = arith.xori %lt3A_85, %ne3A_89 : vector<240x1xi1>
    %and3A_91 = arith.andi %ne3A_90, %ne3A_82 : vector<240x1xi1>
    %add3A_92 = vector.broadcast %select_n3A_77 : i32 to vector<240x1xi32>
    %add3A_93 = arith.addi %rem3A_79, %add3A_92 : vector<240x1xi32>
    %select_n3A_94 = arith.select %and3A_91, %add3A_93, %rem3A_79 : vector<240x1xi1>, vector<240x1xi32>
    %iota3A_95 = tpu.iota {dimensions = array<i32: 1>} : vector<240x4xi32>
    %eq3A_96 = vector.broadcast %select_n3A : vector<240x1xi32> to vector<240x4xi32>
    %eq3A_97 = arith.cmpi eq, %eq3A_96, %iota3A_95 : vector<240x4xi32>
    %convert_element_type3A = arith.extui %eq3A_97 : vector<240x4xi1> to vector<240x4xi32>
    %convert_element_type3A_98 = arith.sitofp %convert_element_type3A : vector<240x4xi32> to vector<240x4xf32>
    %iota3A_99 = tpu.iota {dimensions = array<i32: 1>} : vector<240x30xi32>
    %eq3A_100 = vector.broadcast %select_n3A_72 : vector<240x1xi32> to vector<240x30xi32>
    %eq3A_101 = arith.cmpi eq, %eq3A_100, %iota3A_99 : vector<240x30xi32>
    %convert_element_type3A_102 = arith.extui %eq3A_101 : vector<240x30xi1> to vector<240x30xi32>
    %convert_element_type3A_103 = arith.sitofp %convert_element_type3A_102 : vector<240x30xi32> to vector<240x30xf32>
    %iota3A_104 = tpu.iota {dimensions = array<i32: 1>} : vector<240x2xi32>
    %eq3A_105 = vector.broadcast %select_n3A_94 : vector<240x1xi32> to vector<240x2xi32>
    %eq3A_106 = arith.cmpi eq, %eq3A_105, %iota3A_104 : vector<240x2xi32>
    %convert_element_type3A_107 = arith.extui %eq3A_106 : vector<240x2xi1> to vector<240x2xi32>
    %convert_element_type3A_108 = arith.sitofp %convert_element_type3A_107 : vector<240x2xi32> to vector<240x2xf32>
    %get3A = arith.constant 0 : index
    %get3A_109 = arith.constant 0 : index
    %get3A_110 = vector.load %arg0[%get3A, %get3A_109] : memref<4x768xf32, #tpu.memory_space<vmem>>, vector<4x768xf32>
    %dot_general3A = arith.constant dense<0.000000e+00> : vector<240x768xf32>
    %dot_general3A_111 = tpu.matmul %convert_element_type3A_98, %get3A_110, %dot_general3A {dimension_numbers = #tpu.dot_dimension_numbers<[1], [0], [0], [1], [0, 0, 1, 1], [], []>, transpose_lhs_hint = false} : vector<240x4xf32>, vector<4x768xf32>, vector<240x768xf32> -> vector<240x768xf32>
    %get3A_112 = arith.constant 0 : index
    %get3A_113 = arith.constant 0 : index
    %get3A_114 = vector.load %arg1[%get3A_112, %get3A_113] : memref<30x768xf32, #tpu.memory_space<vmem>>, vector<30x768xf32>
    %dot_general3A_115 = arith.constant dense<0.000000e+00> : vector<240x768xf32>
    %dot_general3A_116 = tpu.matmul %convert_element_type3A_103, %get3A_114, %dot_general3A_115 {dimension_numbers = #tpu.dot_dimension_numbers<[1], [0], [0], [1], [0, 0, 1, 1], [], []>, transpose_lhs_hint = false} : vector<240x30xf32>, vector<30x768xf32>, vector<240x768xf32> -> vector<240x768xf32>
    %add3A_117 = arith.addf %dot_general3A_111, %dot_general3A_116 : vector<240x768xf32>
    %get3A_118 = arith.constant 0 : index
    %get3A_119 = arith.constant 0 : index
    %get3A_120 = vector.load %arg2[%get3A_118, %get3A_119] : memref<2x768xf32, #tpu.memory_space<vmem>>, vector<2x768xf32>
    %dot_general3A_121 = arith.constant dense<0.000000e+00> : vector<240x768xf32>
    %dot_general3A_122 = tpu.matmul %convert_element_type3A_108, %get3A_120, %dot_general3A_121 {dimension_numbers = #tpu.dot_dimension_numbers<[1], [0], [0], [1], [0, 0, 1, 1], [], []>, transpose_lhs_hint = false} : vector<240x2xf32>, vector<2x768xf32>, vector<240x768xf32> -> vector<240x768xf32>
    %add3A_123 = arith.addf %add3A_117, %dot_general3A_122 : vector<240x768xf32>
    %reduce_sum3A = arith.constant dense<0.000000e+00> : vector<240xf32>
    %reduce_sum3A_124 = vector.multi_reduction <add>, %add3A_123, %reduce_sum3A [1] : vector<240x768xf32> to vector<240xf32>
    %broadcast_in_dim3A = vector.shape_cast %reduce_sum3A_124 : vector<240xf32> to vector<240x1xf32>
    %div3A_125 = arith.constant 7.680000e+02 : f32
    %div3A_126 = vector.broadcast %div3A_125 : f32 to vector<240x1xf32>
    %div3A_127 = arith.divf %broadcast_in_dim3A, %div3A_126 : vector<240x1xf32>
    %sub3A_128 = vector.broadcast %div3A_127 : vector<240x1xf32> to vector<240x768xf32>
    %sub3A_129 = arith.subf %add3A_123, %sub3A_128 : vector<240x768xf32>
    %mul3A = arith.mulf %sub3A_129, %sub3A_129 : vector<240x768xf32>
    %reduce_sum3A_130 = arith.constant dense<0.000000e+00> : vector<240xf32>
    %reduce_sum3A_131 = vector.multi_reduction <add>, %mul3A, %reduce_sum3A_130 [1] : vector<240x768xf32> to vector<240xf32>
    %broadcast_in_dim3A_132 = vector.shape_cast %reduce_sum3A_131 : vector<240xf32> to vector<240x1xf32>
    %div3A_133 = arith.constant 7.680000e+02 : f32
    %div3A_134 = vector.broadcast %div3A_133 : f32 to vector<240x1xf32>
    %div3A_135 = arith.divf %broadcast_in_dim3A_132, %div3A_134 : vector<240x1xf32>
    %add3A_136 = arith.constant 9.99999974E-6 : f32
    %add3A_137 = vector.broadcast %add3A_136 : f32 to vector<240x1xf32>
    %add3A_138 = arith.addf %div3A_135, %add3A_137 : vector<240x1xf32>
    %rsqrt3A = math.rsqrt %add3A_138 : vector<240x1xf32>
    %mul3A_139 = vector.broadcast %rsqrt3A : vector<240x1xf32> to vector<240x768xf32>
    %mul3A_140 = arith.mulf %sub3A_129, %mul3A_139 : vector<240x768xf32>
    %get3A_141 = arith.constant 0 : index
    %get3A_142 = arith.constant 0 : index
    %get3A_143 = vector.load %arg3[%get3A_141, %get3A_142] : memref<1x768xf32, #tpu.memory_space<vmem>>, vector<1x768xf32>
    %mul3A_144 = vector.broadcast %get3A_143 : vector<1x768xf32> to vector<240x768xf32>
    %mul3A_145 = arith.mulf %mul3A_140, %mul3A_144 : vector<240x768xf32>
    %get3A_146 = arith.constant 0 : index
    %get3A_147 = arith.constant 0 : index
    %get3A_148 = vector.load %arg4[%get3A_146, %get3A_147] : memref<1x768xf32, #tpu.memory_space<vmem>>, vector<1x768xf32>
    %add3A_149 = vector.broadcast %get3A_148 : vector<1x768xf32> to vector<240x768xf32>
    %add3A_150 = arith.addf %mul3A_145, %add3A_149 : vector<240x768xf32>
    %swap3A = arith.constant 0 : index
    %swap3A_151 = arith.constant 0 : index
    %swap3A_152 = vector.load %arg5[%swap3A, %swap3A_151] : memref<240x768xf32, #tpu.memory_space<vmem>>, vector<240x768xf32>
    tpu.vector_store %arg5[%swap3A, %swap3A_151], %add3A_150 {strides = array<i32>} : memref<240x768xf32, #tpu.memory_space<vmem>>, vector<240x768xf32>,
    return
  }
}

</mosaic_0001>

<sc_bundles>
// kernel: kernel.4.cloned.1.call-start
scs
__scs_entry_jumppad:
0x0: {  	(pc) =	sbr.rel $0x88, $3  }
0x1: {  	(tag) =	ssettag $0x0;
	lr =	simm.s32 $0x1  }
0x2: {  	[smem:$0x3F99] =	sst lr;
	_ =	strace $0xD0000000  }
0x3: {  	_ = 	snop  }
0x4: {  	_ = 	snop  }
0x5: {  	_ = 	snop  }
0x6: {  	_ = 	snop  }
0x7: {  	_ = 	snop  }
__scs_overlays_trampoline_lowered:
0x8: {  	[smem:$0x3FA8] =	sst s0  }
0x9: {  	[smem:$0x3FA9] =	sst s1  }
0xa: {  	[smem:$0x3FAA] =	sst s2  }
0xb: {  	[smem:$0x3FAB] =	sst s3  }
0xc: {  	[smem:$0x3FAC] =	sst s4  }
0xd: {  	[smem:$0x3FAD] =	sst s5  }
0xe: {  	[smem:$0x3FAE] =	sst s6  }
0xf: {  	[smem:$0x3FAF] =	sst s7  }
0x10: {  	[smem:$0x3FB0] =	sst s8  }
0x11: {  	[smem:$0x3FB1] =	sst s9;
	s0 =	simm.s32 @!p0 $0x0  }
0x12: {  	s1 =	sld [smem:$0x3F97];
	s0 =	simm.s32 @p0 $0x1  }
0x13: {  	[smem:$0x3FB2] =	sst s0;
	s0 =	simm.s32 @!p1 $0x0  }
0x14: {  	s2 =	sld [smem:$0x3F96];
	s0 =	simm.s32 @p1 $0x1  }
0x15: {  	[smem:$0x3FB3] =	sst s0;
	s0 =	simm.s32 @!p2 $0x0  }
0x16: {  	s3 =	sld [smem:$0x3FDB];
	s0 =	simm.s32 @p2 $0x1  }
0x17: {  	s4 =	simm.s32 $0x1BF5;
	[smem:$0x3FB5] =	sst s0  }
0x18: {  	s0 =	sld [smem:$0x3F98];
	_ =	swait.ge [sflag:s4], $0x0  }
0x19: {  	s7 =	sld [smem:$0x3F99]  }
0x1a: {  	s8 =	sadd.s32 $0xFFFFE003, lr  }
0x1b: {  	s9 =	sadd.s32 $0xFFFFFEF7, lr;
	s5 =	simm.s32 $0xFFFFFFFF;
	p2 =	slt.u32 s8, $0xFFFFF086  }
0x1c: {  	p1 =	slt.u32 s9, $0xF7A;
	s5 =	simm.s32 @!p2 $0x0  }
0x1d: {  	s5 =	simm.s32 @p1 $0x1;
	p0 =	seq.s32 s7, s2  }
0x1e: {  	s7 =	smul.u32 @!p0 $0xF7A, s2;
	p2 =	seq.s32 @!p0 s5, $0x0  }
0x1f: {  	s9 =	smul.u32 $0xF7A, s1;
	s8 =	simm.s32 @!p0 $0x1BF5;
	p2 =	por !p2, p0  }
0x20: {  	[sflag:s8] =	ssyncset.s32 @!p0 $0xFFFFF086;
	s6 =	sadd.s32 @!p0 s3, s7;
	s7 =	simm.s32 @!p0 $0x108  }
0x21: {  	s3 =	sadd.s32 s3, s9;
	s6 =	sadd.s32 @!p0 $0x88, s6;
	s7 =	simm.s32 @p2 $0x1082  }
0x22: {  	[simem:s7], [sflag:s8] =	dma.local @!p0 [hbm:s6], $0xF7A  }
0x23: {  	s9 =	sor.u32 $0xD0000000, s2;
	s6 =	simm.s32 $0x108;
	_ =	swait.ge @!p0 [sflag:s8], $0x0  }
0x24: {  	s3 =	sadd.s32 $0x88, s3;
	s6 =	simm.s32 @!p1 $0x1082;
	[sflag:s4] =	ssyncset.s32 $0xFFFFF086  }
0x25: {  	[simem:s6], [sflag:s4] =	dma.local [hbm:s3], $0xF7A  }
0x26: {  	[smem:$0x3F99] =	sst s1;
	(tag) =	ssettag s2;
	_ =	strace s9  }
0x27: {  	s1 =	sld [smem:$0x3FA9]  }
0x28: {  	s2 =	sld [smem:$0x3FAA]  }
0x29: {  	s4 =	sld [smem:$0x3FAC]  }
0x2a: {  	p0 =	seq.s32 s5, $0x0;
	s5 =	sld [smem:$0x3FAD]  }
0x2b: {  	s6 =	sld [smem:$0x3FAE]  }
0x2c: {  	s7 =	sld [smem:$0x3FAF]  }
0x2d: {  	s3 =	simm.s32 $0x108;
	s8 =	sld [smem:$0x3FB0]  }
0x2e: {  	s3 =	simm.s32 @!p0 $0x1082;
	s9 =	sld [smem:$0x3FB1]  }
0x2f: {  	lr =	sadd.s32 s0, s3;
	s0 =	sld [smem:$0x3FA8]  }
0x30: {  	s3 =	sld [smem:$0x3FAB]  }
0x31: {  	[smem:$0x3FB4] =	sst s10  }
0x32: {  	s10 =	sld [smem:$0x3FB2];
	_ =	sdelay $0x3  }
0x33: {  	p0 =	seq.s32 s10, $0x1;
	s10 =	sld [smem:$0x3FB4];
	_ =	sdelay $0x3  }
0x34: {  	[smem:$0x3FB4] =	sst s10  }
0x35: {  	s10 =	sld [smem:$0x3FB3];
	_ =	sdelay $0x3  }
0x36: {  	p1 =	seq.s32 s10, $0x1;
	s10 =	sld [smem:$0x3FB4];
	_ =	sdelay $0x3  }
0x37: {  	[smem:$0x3FB4] =	sst s10  }
0x38: {  	s10 =	sld [smem:$0x3FB5]  }
0x39: {  	_ = 	snop;
	(pc) =	sbr.ind lr, $3  }
0x3a: {  	_ = 	snop  }
0x3b: {  	_ = 	snop  }
0x3c: {  	p2 =	seq.s32 s10, $0x1;
	s10 =	sld [smem:$0x3FB4]  }
0x3d: {  	_ =	shalt  }
0x3e: {  	_ =	shalt  }
0x3f: {  	_ =	shalt  }
0x40: {  	_ =	shalt  }
0x41: {  	_ =	shalt  }
0x42: {  	_ =	shalt  }
0x43: {  	_ =	shalt  }
0x44: {  	_ =	shalt  }
0x45: {  	_ =	shalt  }
0x46: {  	_ =	shalt  }
0x47: {  	_ =	shalt  }
0x48: {  	_ =	shalt  }
0x49: {  	_ =	shalt  }
0x4a: {  	_ =	shalt  }
0x4b: {  	_ =	shalt  }
0x4c: {  	_ =	shalt  }
0x4d: {  	_ =	shalt  }
0x4e: {  	_ =	shalt  }
0x4f: {  	_ =	shalt  }
0x50: {  	_ =	shalt  }
0x51: {  	_ =	shalt  }
0x52: {  	_ =	shalt  }
0x53: {  	_ =	shalt  }
0x54: {  	_ =	shalt  }
0x55: {  	_ =	shalt  }
0x56: {  	_ =	shalt  }
0x57: {  	_ =	shalt  }
0x58: {  	_ =	shalt  }
0x59: {  	_ =	shalt  }
0x5a: {  	_ =	shalt  }
0x5b: {  	_ =	shalt  }
0x5c: {  	_ =	shalt  }
0x5d: {  	_ =	shalt  }
0x5e: {  	_ =	shalt  }
0x5f: {  	_ =	shalt  }
0x60: {  	_ =	shalt  }
0x61: {  	_ =	shalt  }
0x62: {  	_ =	shalt  }
0x63: {  	_ =	shalt  }
0x64: {  	_ =	shalt  }
0x65: {  	_ =	shalt  }
0x66: {  	_ =	shalt  }
0x67: {  	_ =	shalt  }
0x68: {  	_ =	shalt  }
0x69: {  	_ =	shalt  }
0x6a: {  	_ =	shalt  }
0x6b: {  	_ =	shalt  }
0x6c: {  	_ =	shalt  }
0x6d: {  	_ =	shalt  }
0x6e: {  	_ =	shalt  }
0x6f: {  	_ =	shalt  }
0x70: {  	_ =	shalt  }
0x71: {  	_ =	shalt  }
0x72: {  	_ =	shalt  }
0x73: {  	_ =	shalt  }
0x74: {  	_ =	shalt  }
0x75: {  	_ =	shalt  }
0x76: {  	_ =	shalt  }
0x77: {  	_ =	shalt  }
0x78: {  	_ =	shalt  }
0x79: {  	_ =	shalt  }
0x7a: {  	_ =	shalt  }
0x7b: {  	_ =	shalt  }
0x7c: {  	_ =	shalt  }
0x7d: {  	_ =	shalt  }
0x7e: {  	_ =	shalt  }
0x7f: {  	_ =	shalt  }
0x80: {  	_ =	shalt  }
0x81: {  	_ =	shalt  }
0x82: {  	_ =	shalt  }
0x83: {  	_ =	shalt  }
0x84: {  	_ =	shalt  }
0x85: {  	_ =	shalt  }
0x86: {  	_ =	shalt  }
0x87: {  	_ =	shalt  }
.Lfunc_end0:
.L_simem_size_0:
called_computation_lowered:
.L_overlay_start_0:
0x88: {  	s2 =	sld [smem:$0x3FD9]  }
0x89: {  	s3 =	sld [smem:$0x3FFE];
	_ =	sdelay $0x1  }
0x8a: {  	s1 =	srdreg.scid  }
0x8b: {  	s0 =	sand.u32 $0x1, s1  }
0x8c: {  	s17 =	sshll.u32 s0, $0xA;
	s2 =	sadd.s32 s3, s2  }
0x8d: {  	s2 =	sadd.s32 s2, s17  }
0x8e: {  	[smem:$0x3FC0] =	sst s2  }
0x8f: {  	_ = 	snop  }
0x90: {  	s2 =	sld [smem:$0x3FD0];
	(tm) =	ssettm $0x1  }
0x91: {  	s18 =	sld [smem:$0x3FFB];
	_ =	sdelay $0x3  }
0x92: {  	_ =	strace s18  }
0x93: {  	s3 =	sld [smem:$0x3FFC];
	_ =	sdelay $0x3  }
0x94: {  	_ =	strace s3  }
0x95: {  	s3 =	sld [smem:$0x3FFD];
	_ =	sdelay $0x3  }
0x96: {  	_ =	strace s3  }
0x97: {  	_ =	strace $0x8FFFFFFF  }
0x98: {  	s19 =	sld [smem:$0x3FDB];
	_ =	sdelay $0x1  }
0x99: {  	s4 =	simm.s32 $_scs_section_size  }
0x9a: {  	s5 =	simm.s32 $_size__tile_overlayer_lowered;
	s6 =	simm.s32 $_tile_overlayer_lowered  }
0x9b: {  	s22 =	simm.s32 $0x1BFF;
	s21 =	sshll.u32 s6, $0x1;
	s3 =	sadd.s32 s4, s19  }
0x9c: {  	s7 =	simm.s32 $0x0;
	s20 =	sshll.u32 s5, $0x1;
	s5 =	sadd.s32 s21, s3  }
0x9d: {  	[timem:s7], [sflag:s22] =	dma.local [hbm:s5], s20  }
0x9e: {  	_ =	swait.ge [sflag:s22], s20  }
0x9f: {  	s4 =	ssub.s32 $0x0, s20;
	[sflag:s22] =	ssyncset.done $0x0  }
0xa0: {  	[sflag:s22] =	ssyncadd.s32 s4;
	_ =	sdelay $0x1  }
0xa1: {  	s23 =	simm.s32 $0x1B8B  }
0xa2: {  	_ =	swait.ge [sflag:s23], $0x1  }
0xa3: {  	[sflag:s23] =	ssyncset.done $0x0  }
0xa4: {  	s25 =	simm.s32 $0x1B8E;
	s24 =	sld [smem:$0x3FFE];
	[sflag:s23] =	ssyncadd.s32 $0xFFFFFFFF  }
0xa5: {  	s26 =	simm.s32 $execute0_lowered;
	[smem:$0x3FD2] =	sst s25  }
0xa6: {  	s5 =	sshll.u32 s26, $0x1;
	_ =	strace $0x80000046;
	[dreg:$0x1] =	wrdreg $0xFFFFFFFF  }
0xa7: {  	s28 =	simm.s32 $_size_execute0_lowered;
	s3 =	sadd.s32 s3, s5;
	[dreg:$0x0] =	wrdreg $0x0  }
0xa8: {  	s5 =	sshll.u32 s28, $0x1;
	[dreg:$0x2] =	wrdreg s3  }
0xa9: {  	[dreg:$0x3] =	wrdreg s5  }
0xaa: {  	[dreg:$0x4] =	wrdreg $0xC0  }
0xab: {  	_ =	task [dreg:s7], $0x5FFFF  }
0xac: {  	[dreg:$0x1] =	wrdreg $0xFFFFFFFF  }
0xad: {  	[dreg:$0x0] =	wrdreg $0x60  }
0xae: {  	[dreg:$0x2] =	wrdreg s24  }
0xaf: {  	[dreg:$0x3] =	wrdreg s2  }
0xb0: {  	[dreg:$0x4] =	wrdreg $0x9  }
0xb1: {  	_ =	task.clear_ibuf [dreg:s7], $0x5FFFF;
	_ =	strace $0x90000046  }
0xb2: {  	s29 =	simm.s32 $0x9;
	_ =	strace $0x80000048  }
0xb3: {  	_ =	swait.ge [sflag:s29], $0x1  }
0xb4: {  	[sflag:s29] =	ssyncadd.s32 $0xFFFFFFFF  }
0xb5: {  	_ =	strace $0x90000048  }
0xb6: {  	_ =	sfence  }
0xb7: {  	s30 =	sld [smem:$0x0];
	_ =	sdelay $0x2  }
0xb8: {  	s31 =	sshll.u32 s1, $0xD;
	s1 =	sshrl.u32 s1, $0x2  }
0xb9: {  	s3 =	sand.u32 $0x4000, s31;
	s1 =	sadd.s32 s1, s30  }
0xba: {  	s0 =	sor.u32 s3, s0;
	s1 =	sshll.u32 s1, $0x11  }
0xbb: {  	s0 =	sor.u32 s1, s0  }
0xbc: {  	s0 =	sadd.s32 $0x8F2B, s0  }
0xbd: {  	[sflag:s0] =	ssyncadd.remote.s32 $0x1  }
0xbe: {  	_ =	sfence.sel $0xFFFF  }
0xbf: {  	[dreg:$0x0] =	wrdreg $0xFFFFFFFF;
	(pc) =	sbr.abs _section_cstart, $3  }
0xc0: {  	[dreg:$0x1] =	wrdreg $0xFFFFFFFF  }
0xc1: {  	_ =	task.clear_ibuf [dreg:s7], $0x2FFFF;
	_ =	strace $0x9FFFFFFF  }
0xc2: {  	(tm) =	ssettm $0x7FFFFFFF  }
0xc3: {  	_ =	shalt  }
tec
execute0_lowered:
.L_overlay_start_1:
0x0: {  	(tag) =	ssettag $0x1  }
0x1: {  	s0 =	rddreg [dreg:$0x0]  }
0x2: {  	s1 =	rddreg [dreg:$0x1]  }
0x3: {  	s2 =	srdreg.scid;
	s5 =	stileid.u32  }
0x4: {  	s15 =	simm.s32 $0x4D00;
	s12 =	simm.s32 $0x10D00;
	s21 =	simm.s32 $0x13D00  }
0x5: {  	s28 =	simm.s32 $0x16D00;
	s29 =	simm.s32 $0x17500;
	s30 =	simm.s32 $0x17D00  }
0x6: {  	s31 =	simm.s32 $0x18500;
	s13 =	simm.s32 $0x19D00;
	s14 =	simm.s32 $0x1A500  }
0x7: {  	s16 =	simm.s32 $0x1;
	s17 =	simm.s32 $0x2;
	s19 =	simm.s32 $0x0  }
0x8: {  	s4 =	sand.u32 $0x1, s2;
	s3 =	sshll.u32 s5, $0x1;
	s5 =	smul.u32 $0x1E00, s5  }
0x9: {  	s2 =	simm.s32 $0x0;
	s3 =	sor.u32 s4, s3;
	s6 =	smul.u32 $0xF00, s4  }
0xa: {  	[smem:$0x7FF] =	sst s2;
	s4 =	ssub.s32 $0x2, s4;
	s7 =	smul.u32 $0xF00, s3  }
0xb: {  	_ =	strace $0x80000047;
	s3 =	sadd.s32 $0xC000, s0;
	s8 =	sshrl.u32 s4, $0x1  }
0xc: {  	s5 =	sadd.s32 s6, s5;
	s4 =	ssub.s32 s4, s8;
	s8 =	sadd.s32 $0xC200, s0  }
0xd: {  	s22 =	sshrl.u32 s7, $0x3;
	s23 =	sor.u32 $0x40, s5;
	s5 =	sshrl.u32 s5, $0x3  }
0xe: {  	s26 =	smax.u32 s4, $0x1;
	s4 =	simm.s32 $0x1AD00;
	s6 =	sadd.s32 s22, s0  }
0xf: {  	s7 =	sshrl.u32 s23, $0x3;
	s5 =	smul.u32 $0x300, s5;
	[dreg:$0x6] =	wrdreg s26  }
0x10: {  	s22 =	simm.s32 $0x14500;
	s23 =	simm.s32 $0x14D00;
	s26 =	simm.s32 $0x16500  }
0x11: {  	s9 =	smul.u32 $0x300, s7;
	s24 =	sadd.s32 $0xC00, s6;
	s25 =	sadd.s32 $0x4800, s6  }
.Ltmp0:
0x12: {  	s6 =	sadd.s32 $0x8400, s6;
	[dreg:$0x3] =	wrdreg s24;
	(pc) =	sbr.rel .LBB2_1-.Ltmp0, $4  }
0x13: {  	s7 =	sadd.s32 $0xC100, s0;
	s0 =	simm.s32 $0x18D00;
	[dreg:$0x4] =	wrdreg s25  }
0x14: {  	v2 =	vlaneseq.u32;
	[dreg:$0x5] =	wrdreg s6;
	s11 =	sadd.s32 s5, s1;
	s24 =	simm.s32 $0x15500  }
0x15: {  	vm0 =	vmmov $0xffff;
	v1 =	vshrl.u32 v2, $0x3;
	s25 =	simm.s32 $0x15D00;
	s5 =	simm.s32 $0x1B500;
	s6 =	simm.s32 $0x1BD00  }
0x16: {  	v0 =	vand.u32 $0x7, v2;
	v2 =	vor.u32 $0x8, v2;
	v1 =	vmul.u32 $0x8, v1;
	s10 =	sadd.s32 s9, s1;
	s1 =	simm.s32 $0x19500;
	s9 =	simm.s32 $0x1C500  }
.LBB2_8:
0x17: {  	_ =	swait.ge [sflag:s17], $0xC000  }
0x18: {  	s19 =	rddreg [dreg:$0x7]  }
0x19: {  	s18 =	rddreg [dreg:$0x6];
	s19 =	sadd.s32 $0x1, s19  }
0x1a: {  	p0 =	sne.s32 s19, s18  }
.Ltmp1:
0x1b: {  	_ = 	snop;
	(pc) =	sbr.rel @!p0 .LBB2_9-.Ltmp1, $3  }
0x1c: {  	_ =	sdelay $0x1  }
0x1d: {  	[sflag:s17] =	ssyncset.done $0x0  }
0x1e: {  	[sflag:s17] =	ssyncadd.s32 $0xFFFF4000  }
.LBB2_1:
0x1f: {  	[dreg:$0x7] =	wrdreg s19  }
0x20: {  	s18 =	rddreg [dreg:$0x3];
	s19 =	simm.s32 $0x3  }
0x21: {  	[tilespmem:s2], [sflag:$0x3] =	stream.linear.gather [hbm4b:s18+s2], $0xF00, $0x38;
	[tilespmem:$0x1CD00] =	vst v63  }
0x22: {  	_ =	swait.ge [sflag:s19], $0xF00  }
0x23: {  	[sflag:s19] =	ssyncset.done $0x0  }
0x24: {  	s20 =	simm.s32 $0xF00;
	s18 =	rddreg [dreg:$0x4];
	[sflag:s19] =	ssyncadd.s32 $0xFFFFF100  }
0x25: {  	[tilespmem:s20], [sflag:$0x3] =	stream.linear.gather [hbm4b:s18+s2], $0xF00, $0x38;
	[tilespmem:$0x1CD00] =	vst v63  }
0x26: {  	_ =	swait.ge [sflag:s19], $0xF00  }
0x27: {  	[sflag:s19] =	ssyncset.done $0x0  }
0x28: {  	s20 =	simm.s32 $0x1E00;
	s18 =	rddreg [dreg:$0x5];
	[sflag:s19] =	ssyncadd.s32 $0xFFFFF100  }
0x29: {  	[tilespmem:s20], [sflag:$0x3] =	stream.linear.gather [hbm4b:s18+s2], $0xF00, $0x38;
	[tilespmem:$0x1CD00] =	vst v63  }
0x2a: {  	_ =	swait.ge [sflag:s19], $0xF00  }
0x2b: {  	[sflag:s19] =	ssyncset.done $0x0  }
0x2c: {  	s20 =	simm.s32 $0x0;
	[sflag:s19] =	ssyncadd.s32 $0xFFFFF100  }
0x2d: {  	v3 =	vld [tilespmem:s20+$0x0]  }
0x2e: {  	v4 =	vld [tilespmem:s20+$0xF00];
	_ =	sdelay $0x1  }
0x2f: {  	v5 =	vld [tilespmem:s20+$0x1E00];
	_ =	sdelay $0x1  }
0x30: {  	v3 =	vmul.u32 $0x3C, v3  }
0x31: {  	v4 =	vshll.u32 v4, $0x1  }
0x32: {  	v3 =	vadd.s32 v3, v4  }
0x33: {  	s18 =	simm.s32 $0x2D20;
	v3 =	vadd.s32 v5, v3  }
0x34: {  	[tilespmem:s18+$0xFFFFFFE0] =	vst v3  }
0x35: {  	v3 =	vld [tilespmem:s20+$0x10]  }
0x36: {  	v58 =	vld [tilespmem:s20+$0xF10];
	_ =	sdelay $0x1  }
0x37: {  	v59 =	vld [tilespmem:s20+$0x1E10];
	_ =	sdelay $0x1  }
0x38: {  	v3 =	vmul.u32 $0x3C, v3  }
0x39: {  	v4 =	vshll.u32 v58, $0x1  }
0x3a: {  	v3 =	vadd.s32 v3, v4  }
0x3b: {  	v3 =	vadd.s32 v59, v3  }
0x3c: {  	[tilespmem:s18+$0xFFFFFFF0] =	vst v3  }
0x3d: {  	v3 =	vld [tilespmem:s20+$0x20]  }
0x3e: {  	v60 =	vld [tilespmem:s20+$0xF20];
	_ =	sdelay $0x1  }
0x3f: {  	v61 =	vld [tilespmem:s20+$0x1E20];
	_ =	sdelay $0x1  }
0x40: {  	v3 =	vmul.u32 $0x3C, v3  }
0x41: {  	v4 =	vshll.u32 v60, $0x1  }
0x42: {  	v3 =	vadd.s32 v3, v4  }
0x43: {  	v3 =	vadd.s32 v61, v3  }
0x44: {  	[tilespmem:s18+$0x0] =	vst v3  }
0x45: {  	v3 =	vld [tilespmem:s20+$0x30]  }
0x46: {  	v62 =	vld [tilespmem:s20+$0xF30];
	_ =	sdelay $0x1  }
0x47: {  	v63 =	vld [tilespmem:s20+$0x1E30];
	_ =	sdelay $0x1  }
0x48: {  	v3 =	vmul.u32 $0x3C, v3  }
0x49: {  	v4 =	vshll.u32 v62, $0x1  }
0x4a: {  	v3 =	vadd.s32 v3, v4  }
0x4b: {  	v3 =	vadd.s32 v63, v3  }
0x4c: {  	s19 =	simm.s32 $0x40;
	s20 =	simm.s32 $0x200;
	[tilespmem:s18+$0x10] =	vst v3  }
.LBB2_2:
0x4d: {  	p0 =	sne.s32 s20, $0x3B00;
	v3 =	vld [tilespmem:s19+$0x0]  }
0x4e: {  	v4 =	vld [tilespmem:s19+$0xF00]  }
0x4f: {  	v5 =	vld [tilespmem:s19+$0x1E00];
	_ =	sdelay $0x2  }
0x50: {  	v3 =	vmul.u32 $0x3C, v3  }
0x51: {  	v4 =	vshll.u32 v4, $0x1  }
0x52: {  	v3 =	vadd.s32 v3, v4  }
0x53: {  	s18 =	sadd.s32 $0x80, s18;
	v3 =	vadd.s32 v5, v3  }
0x54: {  	[tilespmem:s18+$0xFFFFFFE0] =	vst v3  }
0x55: {  	v3 =	vld [tilespmem:s19+$0x10]  }
0x56: {  	v4 =	vld [tilespmem:s19+$0xF10];
	_ =	sdelay $0x1  }
0x57: {  	v5 =	vld [tilespmem:s19+$0x1E10];
	_ =	sdelay $0x1  }
0x58: {  	v3 =	vmul.u32 $0x3C, v3  }
0x59: {  	v4 =	vshll.u32 v4, $0x1  }
0x5a: {  	v3 =	vadd.s32 v3, v4  }
0x5b: {  	v3 =	vadd.s32 v5, v3  }
0x5c: {  	[tilespmem:s18+$0xFFFFFFF0] =	vst v3  }
0x5d: {  	v3 =	vld [tilespmem:s19+$0x20]  }
0x5e: {  	v4 =	vld [tilespmem:s19+$0xF20];
	_ =	sdelay $0x1  }
0x5f: {  	v5 =	vld [tilespmem:s19+$0x1E20];
	_ =	sdelay $0x1  }
0x60: {  	v3 =	vmul.u32 $0x3C, v3  }
0x61: {  	v4 =	vshll.u32 v4, $0x1  }
0x62: {  	v3 =	vadd.s32 v3, v4  }
0x63: {  	v3 =	vadd.s32 v5, v3  }
0x64: {  	[tilespmem:s18+$0x0] =	vst v3  }
0x65: {  	v3 =	vld [tilespmem:s19+$0x30]  }
0x66: {  	v4 =	vld [tilespmem:s19+$0xF30]  }
0x67: {  	v5 =	vld [tilespmem:s19+$0x1E30];
	_ =	sdelay $0x2  }
.Ltmp2:
0x68: {  	v3 =	vmul.u32 $0x3C, v3;
	(pc) =	sbr.rel @p0 .LBB2_2-.Ltmp2, $4  }
0x69: {  	v4 =	vshll.u32 v4, $0x1  }
0x6a: {  	v3 =	vadd.s32 v3, v4  }
0x6b: {  	v3 =	vadd.s32 v5, v3  }
0x6c: {  	s19 =	sshra.s32 s20, $0x2;
	s20 =	sadd.s32 $0x100, s20;
	[tilespmem:s18+$0x10] =	vst v3  }
0x6d: {  	v3 =	vld [tilespmem:s19+$0x0]  }
0x6e: {  	v4 =	vld [tilespmem:s19+$0xF00];
	_ =	sdelay $0x1  }
0x6f: {  	v5 =	vld [tilespmem:s19+$0x1E00];
	_ =	sdelay $0x1  }
0x70: {  	v3 =	vmul.u32 $0x3C, v3  }
0x71: {  	v4 =	vshll.u32 v4, $0x1  }
0x72: {  	v3 =	vadd.s32 v3, v4  }
0x73: {  	s18 =	sadd.s32 $0x80, s18;
	v3 =	vadd.s32 v5, v3  }
0x74: {  	[tilespmem:s18+$0xFFFFFFE0] =	vst v3  }
0x75: {  	v3 =	vld [tilespmem:s19+$0x10]  }
0x76: {  	v50 =	vld [tilespmem:s19+$0xF10];
	_ =	sdelay $0x1  }
0x77: {  	v51 =	vld [tilespmem:s19+$0x1E10];
	_ =	sdelay $0x1  }
0x78: {  	v3 =	vmul.u32 $0x3C, v3  }
0x79: {  	v4 =	vshll.u32 v50, $0x1  }
0x7a: {  	v3 =	vadd.s32 v3, v4  }
0x7b: {  	v3 =	vadd.s32 v51, v3  }
0x7c: {  	[tilespmem:s18+$0xFFFFFFF0] =	vst v3  }
0x7d: {  	v3 =	vld [tilespmem:s19+$0x20]  }
0x7e: {  	v52 =	vld [tilespmem:s19+$0xF20];
	_ =	sdelay $0x1  }
0x7f: {  	v53 =	vld [tilespmem:s19+$0x1E20];
	_ =	sdelay $0x1  }
0x80: {  	v3 =	vmul.u32 $0x3C, v3  }
0x81: {  	v4 =	vshll.u32 v52, $0x1  }
0x82: {  	v3 =	vadd.s32 v3, v4  }
0x83: {  	v3 =	vadd.s32 v53, v3  }
0x84: {  	[tilespmem:s18+$0x0] =	vst v3  }
0x85: {  	v3 =	vld [tilespmem:s19+$0x30]  }
0x86: {  	v54 =	vld [tilespmem:s19+$0xF30];
	_ =	sdelay $0x1  }
0x87: {  	v55 =	vld [tilespmem:s19+$0x1E30];
	_ =	sdelay $0x1  }
0x88: {  	v3 =	vmul.u32 $0x3C, v3  }
0x89: {  	v4 =	vshll.u32 v54, $0x1  }
0x8a: {  	v3 =	vadd.s32 v3, v4  }
0x8b: {  	v3 =	vadd.s32 v55, v3  }
0x8c: {  	[tilespmem:s18+$0x10] =	vst v3  }
0x8d: {  	v3 =	vld [tilespmem:$0x2D00];
	_ =	sdelay $0x4  }
0x8e: {  	v56 =	vshrl.u32 v3, $0x3  }
0x8f: {  	v4 =	vmul.u32 $0x30, v56  }
0x90: {  	v3 =	vand.u32 $0x7, v3  }
0x91: {  	v3 =	vor.u32 v3, v4  }
0x92: {  	v4 =	vperm.xlane v3, v0;
	_ =	sdelay $0x1  }
0x93: {  	v4 =	vadd.s32 v1, v4;
	_ =	sdelay $0x3  }
0x94: {  	s18 =	simm.s32 $0x0;
	v3 =	vperm.xlane v3, v2  }
0x95: {  	[tilespmem:s15], [sflag:$0x1] =	stream.indirect_vreg.gather [hbm4b:s3+s18], $0x80, v4, vm0, $0xb8;
	[tilespmem:$0x1CD00] =	vst v63  }
0x96: {  	s20 =	simm.s32 $0x5500;
	v3 =	vadd.s32 v1, v3  }
0x97: {  	[tilespmem:s20], [sflag:$0x1] =	stream.indirect_vreg.gather [hbm4b:s7+s18], $0x80, v4, vm0, $0xb8;
	[tilespmem:$0x1CD00] =	vst v63  }
0x98: {  	s20 =	simm.s32 $0x5D00  }
0x99: {  	[tilespmem:s20], [sflag:$0x1] =	stream.indirect_vreg.gather [hbm4b:s8+s18], $0x80, v4, vm0, $0xb8;
	[tilespmem:$0x1CD00] =	vst v63  }
0x9a: {  	s20 =	simm.s32 $0x6500  }
0x9b: {  	[tilespmem:s20], [sflag:$0x1] =	stream.indirect_vreg.gather [hbm4b:s3+s18], $0x80, v3, vm0, $0xb8;
	[tilespmem:$0x1CD00] =	vst v63  }
0x9c: {  	s20 =	simm.s32 $0x6D00  }
0x9d: {  	[tilespmem:s20], [sflag:$0x1] =	stream.indirect_vreg.gather [hbm4b:s7+s18], $0x80, v3, vm0, $0xb8;
	[tilespmem:$0x1CD00] =	vst v63  }
0x9e: {  	s20 =	simm.s32 $0x7500  }
0x9f: {  	[tilespmem:s20], [sflag:$0x1] =	stream.indirect_vreg.gather [hbm4b:s8+s18], $0x80, v3, vm0, $0xb8;
	[tilespmem:$0x1CD00] =	vst v63  }
0xa0: {  	v3 =	vld [tilespmem:$0x2D10];
	_ =	sdelay $0x4  }
0xa1: {  	v57 =	vshrl.u32 v3, $0x3  }
0xa2: {  	v4 =	vmul.u32 $0x30, v57  }
0xa3: {  	v3 =	vand.u32 $0x7, v3  }
0xa4: {  	v3 =	vor.u32 v3, v4  }
0xa5: {  	v4 =	vperm.xlane v3, v0;
	_ =	sdelay $0x1  }
0xa6: {  	v4 =	vadd.s32 v1, v4;
	_ =	sdelay $0x3  }
0xa7: {  	s20 =	simm.s32 $0x7D00;
	v3 =	vperm.xlane v3, v2  }
0xa8: {  	[tilespmem:s20], [sflag:$0x1] =	stream.indirect_vreg.gather [hbm4b:s3+s18], $0x80, v4, vm0, $0xb8;
	[tilespmem:$0x1CD00] =	vst v63  }
0xa9: {  	v3 =	vadd.s32 v1, v3;
	s20 =	simm.s32 $0x8500  }
0xaa: {  	[tilespmem:s20], [sflag:$0x1] =	stream.indirect_vreg.gather [hbm4b:s7+s18], $0x80, v4, vm0, $0xb8;
	[tilespmem:$0x1CD00] =	vst v63  }
0xab: {  	s20 =	simm.s32 $0x8D00  }
0xac: {  	[tilespmem:s20], [sflag:$0x1] =	stream.indirect_vreg.gather [hbm4b:s8+s18], $0x80, v4, vm0, $0xb8;
	[tilespmem:$0x1CD00] =	vst v63  }
0xad: {  	s20 =	simm.s32 $0x9500  }
0xae: {  	[tilespmem:s20], [sflag:$0x1] =	stream.indirect_vreg.gather [hbm4b:s3+s18], $0x80, v3, vm0, $0xb8;
	[tilespmem:$0x1CD00] =	vst v63  }
0xaf: {  	s20 =	simm.s32 $0x9D00  }
0xb0: {  	[tilespmem:s20], [sflag:$0x1] =	stream.indirect_vreg.gather [hbm4b:s7+s18], $0x80, v3, vm0, $0xb8;
	[tilespmem:$0x1CD00] =	vst v63  }
0xb1: {  	s20 =	simm.s32 $0xA500  }
0xb2: {  	[tilespmem:s20], [sflag:$0x1] =	stream.indirect_vreg.gather [hbm4b:s8+s18], $0x80, v3, vm0, $0xb8;
	[tilespmem:$0x1CD00] =	vst v63  }
0xb3: {  	v3 =	vld [tilespmem:$0x2D20];
	_ =	sdelay $0x4  }
0xb4: {  	v58 =	vshrl.u32 v3, $0x3  }
0xb5: {  	v4 =	vmul.u32 $0x30, v58  }
0xb6: {  	v3 =	vand.u32 $0x7, v3  }
0xb7: {  	v3 =	vor.u32 v3, v4  }
0xb8: {  	v4 =	vperm.xlane v3, v0;
	_ =	sdelay $0x1  }
0xb9: {  	v4 =	vadd.s32 v1, v4;
	_ =	sdelay $0x3  }
0xba: {  	s20 =	simm.s32 $0xAD00;
	v3 =	vperm.xlane v3, v2  }
0xbb: {  	[tilespmem:s20], [sflag:$0x1] =	stream.indirect_vreg.gather [hbm4b:s3+s18], $0x80, v4, vm0, $0xb8;
	[tilespmem:$0x1CD00] =	vst v63  }
0xbc: {  	v3 =	vadd.s32 v1, v3;
	s20 =	simm.s32 $0xB500  }
0xbd: {  	[tilespmem:s20], [sflag:$0x1] =	stream.indirect_vreg.gather [hbm4b:s7+s18], $0x80, v4, vm0, $0xb8;
	[tilespmem:$0x1CD00] =	vst v63  }
0xbe: {  	s20 =	simm.s32 $0xBD00  }
0xbf: {  	[tilespmem:s20], [sflag:$0x1] =	stream.indirect_vreg.gather [hbm4b:s8+s18], $0x80, v4, vm0, $0xb8;
	[tilespmem:$0x1CD00] =	vst v63  }
0xc0: {  	s20 =	simm.s32 $0xC500  }
0xc1: {  	[tilespmem:s20], [sflag:$0x1] =	stream.indirect_vreg.gather [hbm4b:s3+s18], $0x80, v3, vm0, $0xb8;
	[tilespmem:$0x1CD00] =	vst v63  }
0xc2: {  	s20 =	simm.s32 $0xCD00  }
0xc3: {  	[tilespmem:s20], [sflag:$0x1] =	stream.indirect_vreg.gather [hbm4b:s7+s18], $0x80, v3, vm0, $0xb8;
	[tilespmem:$0x1CD00] =	vst v63  }
0xc4: {  	s20 =	simm.s32 $0xD500  }
0xc5: {  	[tilespmem:s20], [sflag:$0x1] =	stream.indirect_vreg.gather [hbm4b:s8+s18], $0x80, v3, vm0, $0xb8;
	[tilespmem:$0x1CD00] =	vst v63  }
0xc6: {  	v3 =	vld [tilespmem:$0x2D30];
	_ =	sdelay $0x4  }
0xc7: {  	v59 =	vshrl.u32 v3, $0x3  }
0xc8: {  	v4 =	vmul.u32 $0x30, v59  }
0xc9: {  	v3 =	vand.u32 $0x7, v3  }
0xca: {  	v3 =	vor.u32 v3, v4  }
0xcb: {  	v4 =	vperm.xlane v3, v0;
	_ =	sdelay $0x1  }
0xcc: {  	v4 =	vadd.s32 v1, v4;
	_ =	sdelay $0x3  }
0xcd: {  	s20 =	simm.s32 $0xDD00;
	v3 =	vperm.xlane v3, v2  }
0xce: {  	[tilespmem:s20], [sflag:$0x1] =	stream.indirect_vreg.gather [hbm4b:s3+s18], $0x80, v4, vm0, $0xb8;
	[tilespmem:$0x1CD00] =	vst v63  }
0xcf: {  	v3 =	vadd.s32 v1, v3;
	s20 =	simm.s32 $0xE500  }
0xd0: {  	[tilespmem:s20], [sflag:$0x1] =	stream.indirect_vreg.gather [hbm4b:s7+s18], $0x80, v4, vm0, $0xb8;
	[tilespmem:$0x1CD00] =	vst v63  }
0xd1: {  	s20 =	simm.s32 $0xED00  }
0xd2: {  	[tilespmem:s20], [sflag:$0x1] =	stream.indirect_vreg.gather [hbm4b:s8+s18], $0x80, v4, vm0, $0xb8;
	[tilespmem:$0x1CD00] =	vst v63  }
0xd3: {  	s20 =	simm.s32 $0xF500  }
0xd4: {  	[tilespmem:s20], [sflag:$0x1] =	stream.indirect_vreg.gather [hbm4b:s3+s18], $0x80, v3, vm0, $0xb8;
	[tilespmem:$0x1CD00] =	vst v63  }
0xd5: {  	s20 =	simm.s32 $0xFD00  }
0xd6: {  	[tilespmem:s20], [sflag:$0x1] =	stream.indirect_vreg.gather [hbm4b:s7+s18], $0x80, v3, vm0, $0xb8;
	[tilespmem:$0x1CD00] =	vst v63  }
0xd7: {  	s20 =	simm.s32 $0x10500  }
0xd8: {  	[tilespmem:s20], [sflag:$0x1] =	stream.indirect_vreg.gather [hbm4b:s8+s18], $0x80, v3, vm0, $0xb8;
	[tilespmem:$0x1CD00] =	vst v63  }
0xd9: {  	v3 =	vld [tilespmem:$0x2D80];
	_ =	sdelay $0x4  }
0xda: {  	v60 =	vshrl.u32 v3, $0x3  }
0xdb: {  	v4 =	vmul.u32 $0x30, v60  }
0xdc: {  	v3 =	vand.u32 $0x7, v3  }
0xdd: {  	v3 =	vor.u32 v3, v4  }
0xde: {  	v4 =	vperm.xlane v3, v0;
	_ =	sdelay $0x1  }
0xdf: {  	v4 =	vadd.s32 v1, v4;
	_ =	sdelay $0x3  }
0xe0: {  	v3 =	vperm.xlane v3, v2  }
0xe1: {  	[tilespmem:s12], [sflag:$0x1] =	stream.indirect_vreg.gather [hbm4b:s3+s18], $0x80, v4, vm0, $0xb8;
	[tilespmem:$0x1CD00] =	vst v63  }
0xe2: {  	s20 =	simm.s32 $0x11500;
	v3 =	vadd.s32 v1, v3  }
0xe3: {  	[tilespmem:s20], [sflag:$0x1] =	stream.indirect_vreg.gather [hbm4b:s7+s18], $0x80, v4, vm0, $0xb8;
	[tilespmem:$0x1CD00] =	vst v63  }
0xe4: {  	s20 =	simm.s32 $0x11D00  }
0xe5: {  	[tilespmem:s20], [sflag:$0x1] =	stream.indirect_vreg.gather [hbm4b:s8+s18], $0x80, v4, vm0, $0xb8;
	[tilespmem:$0x1CD00] =	vst v63  }
0xe6: {  	s20 =	simm.s32 $0x12500  }
0xe7: {  	[tilespmem:s20], [sflag:$0x1] =	stream.indirect_vreg.gather [hbm4b:s3+s18], $0x80, v3, vm0, $0xb8;
	[tilespmem:$0x1CD00] =	vst v63  }
0xe8: {  	s20 =	simm.s32 $0x12D00  }
0xe9: {  	[tilespmem:s20], [sflag:$0x1] =	stream.indirect_vreg.gather [hbm4b:s7+s18], $0x80, v3, vm0, $0xb8;
	[tilespmem:$0x1CD00] =	vst v63  }
0xea: {  	s20 =	simm.s32 $0x13500  }
0xeb: {  	[tilespmem:s20], [sflag:$0x1] =	stream.indirect_vreg.gather [hbm4b:s8+s18], $0x80, v3, vm0, $0xb8;
	[tilespmem:$0x1CD00] =	vst v63  }
0xec: {  	v3 =	vld [tilespmem:$0x2D90];
	_ =	sdelay $0x4  }
0xed: {  	v61 =	vshrl.u32 v3, $0x3  }
0xee: {  	v4 =	vmul.u32 $0x30, v61  }
0xef: {  	v3 =	vand.u32 $0x7, v3  }
0xf0: {  	v3 =	vor.u32 v3, v4  }
0xf1: {  	v4 =	vperm.xlane v3, v0;
	_ =	sdelay $0x1  }
0xf2: {  	v4 =	vadd.s32 v1, v4;
	_ =	sdelay $0x3  }
0xf3: {  	v3 =	vperm.xlane v3, v2  }
0xf4: {  	[tilespmem:s21], [sflag:$0x1] =	stream.indirect_vreg.gather [hbm4b:s3+s18], $0x80, v4, vm0, $0xb8;
	[tilespmem:$0x1CD00] =	vst v63  }
0xf5: {  	v3 =	vadd.s32 v1, v3  }
0xf6: {  	[tilespmem:s22], [sflag:$0x1] =	stream.indirect_vreg.gather [hbm4b:s7+s18], $0x80, v4, vm0, $0xb8;
	[tilespmem:$0x1CD00] =	vst v63  }
0xf7: {  	_ = 	snop  }
0xf8: {  	[tilespmem:s23], [sflag:$0x1] =	stream.indirect_vreg.gather [hbm4b:s8+s18], $0x80, v4, vm0, $0xb8;
	[tilespmem:$0x1CD00] =	vst v63  }
0xf9: {  	_ = 	snop  }
0xfa: {  	[tilespmem:s24], [sflag:$0x1] =	stream.indirect_vreg.gather [hbm4b:s3+s18], $0x80, v3, vm0, $0xb8;
	[tilespmem:$0x1CD00] =	vst v63  }
0xfb: {  	_ = 	snop  }
0xfc: {  	[tilespmem:s25], [sflag:$0x1] =	stream.indirect_vreg.gather [hbm4b:s7+s18], $0x80, v3, vm0, $0xb8;
	[tilespmem:$0x1CD00] =	vst v63  }
0xfd: {  	_ = 	snop  }
0xfe: {  	[tilespmem:s26], [sflag:$0x1] =	stream.indirect_vreg.gather [hbm4b:s8+s18], $0x80, v3, vm0, $0xb8;
	[tilespmem:$0x1CD00] =	vst v63  }
0xff: {  	v3 =	vld [tilespmem:$0x2DA0];
	_ =	sdelay $0x4  }
0x100: {  	v62 =	vshrl.u32 v3, $0x3  }
0x101: {  	v4 =	vmul.u32 $0x30, v62  }
0x102: {  	v3 =	vand.u32 $0x7, v3  }
0x103: {  	v3 =	vor.u32 v3, v4  }
0x104: {  	v4 =	vperm.xlane v3, v0;
	_ =	sdelay $0x1  }
0x105: {  	v4 =	vadd.s32 v1, v4;
	_ =	sdelay $0x3  }
0x106: {  	v3 =	vperm.xlane v3, v2  }
0x107: {  	[tilespmem:s28], [sflag:$0x1] =	stream.indirect_vreg.gather [hbm4b:s3+s18], $0x80, v4, vm0, $0xb8;
	[tilespmem:$0x1CD00] =	vst v63  }
0x108: {  	v3 =	vadd.s32 v1, v3  }
0x109: {  	[tilespmem:s29], [sflag:$0x1] =	stream.indirect_vreg.gather [hbm4b:s7+s18], $0x80, v4, vm0, $0xb8;
	[tilespmem:$0x1CD00] =	vst v63  }
0x10a: {  	_ = 	snop  }
0x10b: {  	[tilespmem:s30], [sflag:$0x1] =	stream.indirect_vreg.gather [hbm4b:s8+s18], $0x80, v4, vm0, $0xb8;
	[tilespmem:$0x1CD00] =	vst v63  }
0x10c: {  	_ = 	snop  }
0x10d: {  	[tilespmem:s31], [sflag:$0x1] =	stream.indirect_vreg.gather [hbm4b:s3+s18], $0x80, v3, vm0, $0xb8;
	[tilespmem:$0x1CD00] =	vst v63  }
0x10e: {  	_ = 	snop  }
0x10f: {  	[tilespmem:s0], [sflag:$0x1] =	stream.indirect_vreg.gather [hbm4b:s7+s18], $0x80, v3, vm0, $0xb8;
	[tilespmem:$0x1CD00] =	vst v63  }
0x110: {  	_ = 	snop  }
0x111: {  	[tilespmem:s1], [sflag:$0x1] =	stream.indirect_vreg.gather [hbm4b:s8+s18], $0x80, v3, vm0, $0xb8;
	[tilespmem:$0x1CD00] =	vst v63  }
0x112: {  	v3 =	vld [tilespmem:$0x2DB0];
	_ =	sdelay $0x4  }
0x113: {  	v63 =	vshrl.u32 v3, $0x3  }
0x114: {  	v4 =	vmul.u32 $0x30, v63  }
0x115: {  	v3 =	vand.u32 $0x7, v3  }
0x116: {  	v3 =	vor.u32 v3, v4  }
0x117: {  	v4 =	vperm.xlane v3, v0;
	_ =	sdelay $0x1  }
0x118: {  	v4 =	vadd.s32 v1, v4;
	_ =	sdelay $0x3  }
0x119: {  	v3 =	vperm.xlane v3, v2  }
0x11a: {  	[tilespmem:s13], [sflag:$0x1] =	stream.indirect_vreg.gather [hbm4b:s3+s18], $0x80, v4, vm0, $0xb8;
	[tilespmem:$0x1CD00] =	vst v63  }
0x11b: {  	v3 =	vadd.s32 v1, v3  }
0x11c: {  	[tilespmem:s14], [sflag:$0x1] =	stream.indirect_vreg.gather [hbm4b:s7+s18], $0x80, v4, vm0, $0xb8;
	[tilespmem:$0x1CD00] =	vst v63  }
0x11d: {  	_ = 	snop  }
0x11e: {  	[tilespmem:s4], [sflag:$0x1] =	stream.indirect_vreg.gather [hbm4b:s8+s18], $0x80, v4, vm0, $0xb8;
	[tilespmem:$0x1CD00] =	vst v63  }
0x11f: {  	_ = 	snop  }
0x120: {  	[tilespmem:s5], [sflag:$0x1] =	stream.indirect_vreg.gather [hbm4b:s3+s18], $0x80, v3, vm0, $0xb8;
	[tilespmem:$0x1CD00] =	vst v63  }
0x121: {  	_ = 	snop  }
0x122: {  	[tilespmem:s6], [sflag:$0x1] =	stream.indirect_vreg.gather [hbm4b:s7+s18], $0x80, v3, vm0, $0xb8;
	[tilespmem:$0x1CD00] =	vst v63  }
0x123: {  	s19 =	simm.s32 $0x2EB0  }
0x124: {  	[tilespmem:s9], [sflag:$0x1] =	stream.indirect_vreg.gather [hbm4b:s8+s18], $0x80, v3, vm0, $0xb8;
	[tilespmem:$0x1CD00] =	vst v63  }
.LBB2_4:
0x125: {  	p0 =	seq.s32 s18, $0x57000  }
.Ltmp3:
0x126: {  	_ = 	snop;
	(pc) =	sbr.rel @p0 .LBB2_6-.Ltmp3, $4  }
0x127: {  	_ =	swait.ge [sflag:s16], $0xC000  }
0x128: {  	[sflag:s16] =	ssyncset.done $0x0  }
0x129: {  	s20 =	sadd.s32 s18, s11;
	[sflag:s16] =	ssyncadd.s32 $0xFFFF4000  }
0x12a: {  	[hbm4b:s20+s2] =	stream.linear.scatter [tilespmem:s15], [sflag:$0x2], $0xC000, $0x38;
	[tilespmem:$0x1CD00] =	vst v63  }
0x12b: {  	_ =	swait.ge [sflag:s17], $0xC000  }
0x12c: {  	[sflag:s17] =	ssyncset.done $0x0  }
0x12d: {  	[sflag:s17] =	ssyncadd.s32 $0xFFFF4000  }
0x12e: {  	v3 =	vld [tilespmem:s19+$0xFFFFFF50];
	_ =	sdelay $0x4  }
0x12f: {  	v4 =	vshrl.u32 v3, $0x3  }
0x130: {  	v4 =	vmul.u32 $0x30, v4  }
0x131: {  	v3 =	vand.u32 $0x7, v3  }
0x132: {  	v3 =	vor.u32 v3, v4  }
0x133: {  	v4 =	vperm.xlane v3, v0;
	_ =	sdelay $0x1  }
0x134: {  	v4 =	vadd.s32 v1, v4;
	_ =	sdelay $0x3  }
0x135: {  	v3 =	vperm.xlane v3, v2  }
0x136: {  	[tilespmem:s15], [sflag:$0x1] =	stream.indirect_vreg.gather [hbm4b:s3+s2], $0x80, v4, vm0, $0xb8;
	[tilespmem:$0x1CD00] =	vst v63  }
0x137: {  	s20 =	simm.s32 $0x5500;
	v3 =	vadd.s32 v1, v3  }
0x138: {  	[tilespmem:s20], [sflag:$0x1] =	stream.indirect_vreg.gather [hbm4b:s7+s2], $0x80, v4, vm0, $0xb8;
	[tilespmem:$0x1CD00] =	vst v63  }
0x139: {  	s20 =	simm.s32 $0x5D00  }
0x13a: {  	[tilespmem:s20], [sflag:$0x1] =	stream.indirect_vreg.gather [hbm4b:s8+s2], $0x80, v4, vm0, $0xb8;
	[tilespmem:$0x1CD00] =	vst v63  }
0x13b: {  	s20 =	simm.s32 $0x6500  }
0x13c: {  	[tilespmem:s20], [sflag:$0x1] =	stream.indirect_vreg.gather [hbm4b:s3+s2], $0x80, v3, vm0, $0xb8;
	[tilespmem:$0x1CD00] =	vst v63  }
0x13d: {  	s20 =	simm.s32 $0x6D00  }
0x13e: {  	[tilespmem:s20], [sflag:$0x1] =	stream.indirect_vreg.gather [hbm4b:s7+s2], $0x80, v3, vm0, $0xb8;
	[tilespmem:$0x1CD00] =	vst v63  }
0x13f: {  	s20 =	simm.s32 $0x7500  }
0x140: {  	[tilespmem:s20], [sflag:$0x1] =	stream.indirect_vreg.gather [hbm4b:s8+s2], $0x80, v3, vm0, $0xb8;
	[tilespmem:$0x1CD00] =	vst v63  }
0x141: {  	v3 =	vld [tilespmem:s19+$0xFFFFFF60];
	_ =	sdelay $0x4  }
0x142: {  	v61 =	vshrl.u32 v3, $0x3  }
0x143: {  	v4 =	vmul.u32 $0x30, v61  }
0x144: {  	v3 =	vand.u32 $0x7, v3  }
0x145: {  	v3 =	vor.u32 v3, v4  }
0x146: {  	v4 =	vperm.xlane v3, v0;
	_ =	sdelay $0x1  }
0x147: {  	v4 =	vadd.s32 v1, v4;
	_ =	sdelay $0x3  }
0x148: {  	s20 =	simm.s32 $0x7D00;
	v3 =	vperm.xlane v3, v2  }
0x149: {  	[tilespmem:s20], [sflag:$0x1] =	stream.indirect_vreg.gather [hbm4b:s3+s2], $0x80, v4, vm0, $0xb8;
	[tilespmem:$0x1CD00] =	vst v63  }
0x14a: {  	v3 =	vadd.s32 v1, v3;
	s20 =	simm.s32 $0x8500  }
0x14b: {  	[tilespmem:s20], [sflag:$0x1] =	stream.indirect_vreg.gather [hbm4b:s7+s2], $0x80, v4, vm0, $0xb8;
	[tilespmem:$0x1CD00] =	vst v63  }
0x14c: {  	s20 =	simm.s32 $0x8D00  }
0x14d: {  	[tilespmem:s20], [sflag:$0x1] =	stream.indirect_vreg.gather [hbm4b:s8+s2], $0x80, v4, vm0, $0xb8;
	[tilespmem:$0x1CD00] =	vst v63  }
0x14e: {  	s20 =	simm.s32 $0x9500  }
0x14f: {  	[tilespmem:s20], [sflag:$0x1] =	stream.indirect_vreg.gather [hbm4b:s3+s2], $0x80, v3, vm0, $0xb8;
	[tilespmem:$0x1CD00] =	vst v63  }
0x150: {  	s20 =	simm.s32 $0x9D00  }
0x151: {  	[tilespmem:s20], [sflag:$0x1] =	stream.indirect_vreg.gather [hbm4b:s7+s2], $0x80, v3, vm0, $0xb8;
	[tilespmem:$0x1CD00] =	vst v63  }
0x152: {  	s20 =	simm.s32 $0xA500  }
0x153: {  	[tilespmem:s20], [sflag:$0x1] =	stream.indirect_vreg.gather [hbm4b:s8+s2], $0x80, v3, vm0, $0xb8;
	[tilespmem:$0x1CD00] =	vst v63  }
0x154: {  	v3 =	vld [tilespmem:s19+$0xFFFFFF70];
	_ =	sdelay $0x4  }
0x155: {  	v62 =	vshrl.u32 v3, $0x3  }
0x156: {  	v4 =	vmul.u32 $0x30, v62  }
0x157: {  	v3 =	vand.u32 $0x7, v3  }
0x158: {  	v3 =	vor.u32 v3, v4  }
0x159: {  	v4 =	vperm.xlane v3, v0;
	_ =	sdelay $0x1  }
0x15a: {  	v4 =	vadd.s32 v1, v4;
	_ =	sdelay $0x3  }
0x15b: {  	s20 =	simm.s32 $0xAD00;
	v3 =	vperm.xlane v3, v2  }
0x15c: {  	[tilespmem:s20], [sflag:$0x1] =	stream.indirect_vreg.gather [hbm4b:s3+s2], $0x80, v4, vm0, $0xb8;
	[tilespmem:$0x1CD00] =	vst v63  }
0x15d: {  	v3 =	vadd.s32 v1, v3;
	s20 =	simm.s32 $0xB500  }
0x15e: {  	[tilespmem:s20], [sflag:$0x1] =	stream.indirect_vreg.gather [hbm4b:s7+s2], $0x80, v4, vm0, $0xb8;
	[tilespmem:$0x1CD00] =	vst v63  }
0x15f: {  	s20 =	simm.s32 $0xBD00  }
0x160: {  	[tilespmem:s20], [sflag:$0x1] =	stream.indirect_vreg.gather [hbm4b:s8+s2], $0x80, v4, vm0, $0xb8;
	[tilespmem:$0x1CD00] =	vst v63  }
0x161: {  	s20 =	simm.s32 $0xC500  }
0x162: {  	[tilespmem:s20], [sflag:$0x1] =	stream.indirect_vreg.gather [hbm4b:s3+s2], $0x80, v3, vm0, $0xb8;
	[tilespmem:$0x1CD00] =	vst v63  }
0x163: {  	s20 =	simm.s32 $0xCD00  }
0x164: {  	[tilespmem:s20], [sflag:$0x1] =	stream.indirect_vreg.gather [hbm4b:s7+s2], $0x80, v3, vm0, $0xb8;
	[tilespmem:$0x1CD00] =	vst v63  }
0x165: {  	s20 =	simm.s32 $0xD500  }
0x166: {  	[tilespmem:s20], [sflag:$0x1] =	stream.indirect_vreg.gather [hbm4b:s8+s2], $0x80, v3, vm0, $0xb8;
	[tilespmem:$0x1CD00] =	vst v63  }
0x167: {  	v3 =	vld [tilespmem:s19+$0xFFFFFF80];
	_ =	sdelay $0x4  }
0x168: {  	v63 =	vshrl.u32 v3, $0x3  }
0x169: {  	v4 =	vmul.u32 $0x30, v63  }
0x16a: {  	v3 =	vand.u32 $0x7, v3  }
0x16b: {  	v3 =	vor.u32 v3, v4  }
0x16c: {  	v4 =	vperm.xlane v3, v0;
	_ =	sdelay $0x1  }
0x16d: {  	v4 =	vadd.s32 v1, v4;
	_ =	sdelay $0x3  }
0x16e: {  	s20 =	simm.s32 $0xDD00;
	v3 =	vperm.xlane v3, v2  }
0x16f: {  	[tilespmem:s20], [sflag:$0x1] =	stream.indirect_vreg.gather [hbm4b:s3+s2], $0x80, v4, vm0, $0xb8;
	[tilespmem:$0x1CD00] =	vst v63  }
0x170: {  	v3 =	vadd.s32 v1, v3;
	s20 =	simm.s32 $0xE500  }
0x171: {  	[tilespmem:s20], [sflag:$0x1] =	stream.indirect_vreg.gather [hbm4b:s7+s2], $0x80, v4, vm0, $0xb8;
	[tilespmem:$0x1CD00] =	vst v63  }
0x172: {  	s20 =	simm.s32 $0xED00  }
0x173: {  	[tilespmem:s20], [sflag:$0x1] =	stream.indirect_vreg.gather [hbm4b:s8+s2], $0x80, v4, vm0, $0xb8;
	[tilespmem:$0x1CD00] =	vst v63  }
0x174: {  	s20 =	simm.s32 $0xF500  }
0x175: {  	[tilespmem:s20], [sflag:$0x1] =	stream.indirect_vreg.gather [hbm4b:s3+s2], $0x80, v3, vm0, $0xb8;
	[tilespmem:$0x1CD00] =	vst v63  }
0x176: {  	s20 =	simm.s32 $0xFD00  }
0x177: {  	[tilespmem:s20], [sflag:$0x1] =	stream.indirect_vreg.gather [hbm4b:s7+s2], $0x80, v3, vm0, $0xb8;
	[tilespmem:$0x1CD00] =	vst v63  }
0x178: {  	s20 =	simm.s32 $0x10500  }
0x179: {  	[tilespmem:s20], [sflag:$0x1] =	stream.indirect_vreg.gather [hbm4b:s8+s2], $0x80, v3, vm0, $0xb8;
	[tilespmem:$0x1CD00] =	vst v63  }
.LBB2_6:
0x17a: {  	_ =	swait.ge [sflag:s16], $0xC000  }
0x17b: {  	[sflag:s16] =	ssyncset.done $0x0  }
.Ltmp4:
0x17c: {  	s20 =	sadd.s32 s18, s10;
	[sflag:s16] =	ssyncadd.s32 $0xFFFF4000;
	(pc) =	sbr.rel @p0 .LBB2_8-.Ltmp4, $4  }
0x17d: {  	[hbm4b:s20+s2] =	stream.linear.scatter [tilespmem:s12], [sflag:$0x2], $0xC000, $0x38;
	[tilespmem:$0x1CD00] =	vst v63  }
0x17e: {  	_ =	swait.ge [sflag:s17], $0xC000  }
0x17f: {  	[sflag:s17] =	ssyncset.done $0x0  }
0x180: {  	[sflag:s17] =	ssyncadd.s32 $0xFFFF4000  }
0x181: {  	v3 =	vld [tilespmem:s19+$0xFFFFFFD0];
	_ =	sdelay $0x4  }
0x182: {  	v4 =	vshrl.u32 v3, $0x3  }
0x183: {  	v4 =	vmul.u32 $0x30, v4  }
0x184: {  	v3 =	vand.u32 $0x7, v3  }
0x185: {  	v3 =	vor.u32 v3, v4  }
0x186: {  	v4 =	vperm.xlane v3, v0;
	_ =	sdelay $0x1  }
0x187: {  	v4 =	vadd.s32 v1, v4;
	_ =	sdelay $0x3  }
0x188: {  	v3 =	vperm.xlane v3, v2  }
0x189: {  	[tilespmem:s12], [sflag:$0x1] =	stream.indirect_vreg.gather [hbm4b:s3+s2], $0x80, v4, vm0, $0xb8;
	[tilespmem:$0x1CD00] =	vst v63  }
0x18a: {  	s20 =	simm.s32 $0x11500;
	v3 =	vadd.s32 v1, v3  }
0x18b: {  	[tilespmem:s20], [sflag:$0x1] =	stream.indirect_vreg.gather [hbm4b:s7+s2], $0x80, v4, vm0, $0xb8;
	[tilespmem:$0x1CD00] =	vst v63  }
0x18c: {  	s20 =	simm.s32 $0x11D00  }
0x18d: {  	[tilespmem:s20], [sflag:$0x1] =	stream.indirect_vreg.gather [hbm4b:s8+s2], $0x80, v4, vm0, $0xb8;
	[tilespmem:$0x1CD00] =	vst v63  }
0x18e: {  	s20 =	simm.s32 $0x12500  }
0x18f: {  	[tilespmem:s20], [sflag:$0x1] =	stream.indirect_vreg.gather [hbm4b:s3+s2], $0x80, v3, vm0, $0xb8;
	[tilespmem:$0x1CD00] =	vst v63  }
0x190: {  	s20 =	simm.s32 $0x12D00  }
0x191: {  	[tilespmem:s20], [sflag:$0x1] =	stream.indirect_vreg.gather [hbm4b:s7+s2], $0x80, v3, vm0, $0xb8;
	[tilespmem:$0x1CD00] =	vst v63  }
0x192: {  	s20 =	simm.s32 $0x13500  }
0x193: {  	[tilespmem:s20], [sflag:$0x1] =	stream.indirect_vreg.gather [hbm4b:s8+s2], $0x80, v3, vm0, $0xb8;
	[tilespmem:$0x1CD00] =	vst v63  }
0x194: {  	v3 =	vld [tilespmem:s19+$0xFFFFFFE0];
	_ =	sdelay $0x4  }
0x195: {  	v61 =	vshrl.u32 v3, $0x3  }
0x196: {  	v4 =	vmul.u32 $0x30, v61  }
0x197: {  	v3 =	vand.u32 $0x7, v3  }
0x198: {  	v3 =	vor.u32 v3, v4  }
0x199: {  	v4 =	vperm.xlane v3, v0;
	_ =	sdelay $0x1  }
0x19a: {  	v4 =	vadd.s32 v1, v4;
	_ =	sdelay $0x3  }
0x19b: {  	v3 =	vperm.xlane v3, v2  }
0x19c: {  	[tilespmem:s21], [sflag:$0x1] =	stream.indirect_vreg.gather [hbm4b:s3+s2], $0x80, v4, vm0, $0xb8;
	[tilespmem:$0x1CD00] =	vst v63  }
0x19d: {  	v3 =	vadd.s32 v1, v3  }
0x19e: {  	[tilespmem:s22], [sflag:$0x1] =	stream.indirect_vreg.gather [hbm4b:s7+s2], $0x80, v4, vm0, $0xb8;
	[tilespmem:$0x1CD00] =	vst v63  }
0x19f: {  	_ = 	snop  }
0x1a0: {  	[tilespmem:s23], [sflag:$0x1] =	stream.indirect_vreg.gather [hbm4b:s8+s2], $0x80, v4, vm0, $0xb8;
	[tilespmem:$0x1CD00] =	vst v63  }
0x1a1: {  	_ = 	snop  }
0x1a2: {  	[tilespmem:s24], [sflag:$0x1] =	stream.indirect_vreg.gather [hbm4b:s3+s2], $0x80, v3, vm0, $0xb8;
	[tilespmem:$0x1CD00] =	vst v63  }
0x1a3: {  	_ = 	snop  }
0x1a4: {  	[tilespmem:s25], [sflag:$0x1] =	stream.indirect_vreg.gather [hbm4b:s7+s2], $0x80, v3, vm0, $0xb8;
	[tilespmem:$0x1CD00] =	vst v63  }
0x1a5: {  	_ = 	snop  }
0x1a6: {  	[tilespmem:s26], [sflag:$0x1] =	stream.indirect_vreg.gather [hbm4b:s8+s2], $0x80, v3, vm0, $0xb8;
	[tilespmem:$0x1CD00] =	vst v63  }
0x1a7: {  	v3 =	vld [tilespmem:s19+$0xFFFFFFF0];
	_ =	sdelay $0x4  }
0x1a8: {  	v62 =	vshrl.u32 v3, $0x3  }
0x1a9: {  	v4 =	vmul.u32 $0x30, v62  }
0x1aa: {  	v3 =	vand.u32 $0x7, v3  }
0x1ab: {  	v3 =	vor.u32 v3, v4  }
0x1ac: {  	v4 =	vperm.xlane v3, v0;
	_ =	sdelay $0x1  }
0x1ad: {  	v4 =	vadd.s32 v1, v4;
	_ =	sdelay $0x3  }
0x1ae: {  	v3 =	vperm.xlane v3, v2  }
0x1af: {  	[tilespmem:s28], [sflag:$0x1] =	stream.indirect_vreg.gather [hbm4b:s3+s2], $0x80, v4, vm0, $0xb8;
	[tilespmem:$0x1CD00] =	vst v63  }
0x1b0: {  	v3 =	vadd.s32 v1, v3  }
0x1b1: {  	[tilespmem:s29], [sflag:$0x1] =	stream.indirect_vreg.gather [hbm4b:s7+s2], $0x80, v4, vm0, $0xb8;
	[tilespmem:$0x1CD00] =	vst v63  }
0x1b2: {  	_ = 	snop  }
0x1b3: {  	[tilespmem:s30], [sflag:$0x1] =	stream.indirect_vreg.gather [hbm4b:s8+s2], $0x80, v4, vm0, $0xb8;
	[tilespmem:$0x1CD00] =	vst v63  }
0x1b4: {  	_ = 	snop  }
0x1b5: {  	[tilespmem:s31], [sflag:$0x1] =	stream.indirect_vreg.gather [hbm4b:s3+s2], $0x80, v3, vm0, $0xb8;
	[tilespmem:$0x1CD00] =	vst v63  }
0x1b6: {  	_ = 	snop  }
0x1b7: {  	[tilespmem:s0], [sflag:$0x1] =	stream.indirect_vreg.gather [hbm4b:s7+s2], $0x80, v3, vm0, $0xb8;
	[tilespmem:$0x1CD00] =	vst v63  }
0x1b8: {  	_ = 	snop  }
0x1b9: {  	[tilespmem:s1], [sflag:$0x1] =	stream.indirect_vreg.gather [hbm4b:s8+s2], $0x80, v3, vm0, $0xb8;
	[tilespmem:$0x1CD00] =	vst v63  }
0x1ba: {  	v3 =	vld [tilespmem:s19+$0x0];
	_ =	sdelay $0x4  }
0x1bb: {  	v63 =	vshrl.u32 v3, $0x3  }
0x1bc: {  	v4 =	vmul.u32 $0x30, v63  }
0x1bd: {  	v3 =	vand.u32 $0x7, v3  }
0x1be: {  	v3 =	vor.u32 v3, v4  }
0x1bf: {  	v4 =	vperm.xlane v3, v0;
	_ =	sdelay $0x1  }
0x1c0: {  	v4 =	vadd.s32 v1, v4;
	_ =	sdelay $0x3  }
0x1c1: {  	v3 =	vperm.xlane v3, v2  }
0x1c2: {  	[tilespmem:s13], [sflag:$0x1] =	stream.indirect_vreg.gather [hbm4b:s3+s2], $0x80, v4, vm0, $0xb8;
	[tilespmem:$0x1CD00] =	vst v63  }
0x1c3: {  	v3 =	vadd.s32 v1, v3  }
0x1c4: {  	[tilespmem:s14], [sflag:$0x1] =	stream.indirect_vreg.gather [hbm4b:s7+s2], $0x80, v4, vm0, $0xb8;
	[tilespmem:$0x1CD00] =	vst v63  }
0x1c5: {  	_ = 	snop  }
0x1c6: {  	[tilespmem:s4], [sflag:$0x1] =	stream.indirect_vreg.gather [hbm4b:s8+s2], $0x80, v4, vm0, $0xb8;
	[tilespmem:$0x1CD00] =	vst v63  }
0x1c7: {  	_ = 	snop  }
0x1c8: {  	[tilespmem:s5], [sflag:$0x1] =	stream.indirect_vreg.gather [hbm4b:s3+s2], $0x80, v3, vm0, $0xb8;
	[tilespmem:$0x1CD00] =	vst v63  }
.Ltmp5:
0x1c9: {  	_ = 	snop;
	(pc) =	sbr.rel .LBB2_4-.Ltmp5, $4  }
0x1ca: {  	_ = 	snop  }
0x1cb: {  	[tilespmem:s6], [sflag:$0x1] =	stream.indirect_vreg.gather [hbm4b:s7+s2], $0x80, v3, vm0, $0xb8;
	[tilespmem:$0x1CD00] =	vst v63  }
0x1cc: {  	s18 =	sadd.s32 $0x3000, s18;
	s19 =	sadd.s32 $0x100, s19  }
0x1cd: {  	[tilespmem:s9], [sflag:$0x1] =	stream.indirect_vreg.gather [hbm4b:s8+s2], $0x80, v3, vm0, $0xb8;
	[tilespmem:$0x1CD00] =	vst v63  }
.LBB2_9:
0x1ce: {  	_ =	sfence.sel $0x180000  }
0x1cf: {  	[bflag:$0x0] =	sbarrier.arrive $0xFFFF  }
0x1d0: {  	_ =	strace $0x90000047  }
0x1d1: {  	s0 =	stileid.u32;
	[bflag:$0x2] =	sbarrier.arrive $0xFFFF  }
0x1d2: {  	p0 =	sne.s32 s0, $0x0;
	s0 =	rddreg [dreg:$0x2]  }
0x1d3: {  	s0 =	sadd.s32 @!p0 $0x100000, s0  }
0x1d4: {  	[sflag:s0] =	ssyncadd.tile.s32 @!p0 $0x1;
	_ =	shalt  }
.Lfunc_end2:
_tile_overlayer_lowered:
.L_overlay_start_2:
0x1d5: {  	(tag) =	ssettag $0x2  }
0x1d6: {  	s0 =	rddreg [dreg:$0x0];
	s2 =	stileid.u32  }
0x1d7: {  	s1 =	rddreg [dreg:$0x1];
	p0 =	sne.s32 s2, $0x0  }
0x1d8: {  	s3 =	rddreg [dreg:$0x2];
	[bflag:$0x3] =	sbarrier.arrive $0xFFFF;
	s2 =	simm.s32 @!p0 $0x1C03  }
0x1d9: {  	[timem:s3], [sflag:s2] =	dma.local @!p0 [hbm:s0], s1  }
0x1da: {  	s0 =	simm.s32 @!p0 $0x3  }
0x1db: {  	_ =	swait.ge @!p0 [sflag:s0], s1  }
0x1dc: {  	s1 =	ssub.s32 @!p0 $0x0, s1;
	[sflag:s0] =	ssyncset.done @!p0 $0x0  }
0x1dd: {  	[sflag:s0] =	ssyncadd.s32 @!p0 s1  }
0x1de: {  	[bflag:$0x3] =	sbarrier.arrive $0xFFFF  }
0x1df: {  	_ =	shalt  }

</sc_bundles>
